<compile_context>
chip_gen: v7x
topology: tpu7x:2x2x1
jax: 0.10.2.dev20260603
libtpu: 0.0.44.dev20260713+nightly
codegen_flags: <defaults>
</compile_context>

<pallas_src>
import functools

import jax
import jax.numpy as jnp
from jax import lax
from jax.experimental import pallas as pl
from jax.experimental.pallas import tpu as pltpu
from jax.experimental.pallas import tpu_sc as plsc

_D = 64
_NC, _NS = 2, 16
_NW = _NC * _NS
_ROWS = 4096
_SEQ = 200
_HSEQ = _SEQ // 2
_CHUNK = 256
_BBLK = _ROWS // _CHUNK
_CHUNKS = _HSEQ * _ROWS // _CHUNK // _NW
_NSLOT = 6
_LAG = 3


def _body(idx_hbm, table_hbm, out_hbm, idx_v, *bufs_sems):
    bufs = bufs_sems[:_NSLOT]
    gsems = bufs_sems[_NSLOT : 2 * _NSLOT]
    wsems = bufs_sems[2 * _NSLOT :]
    wid = lax.axis_index("s") * _NC + lax.axis_index("c")
    base = wid * _CHUNKS

    pltpu.sync_copy(idx_hbm.at[wid], idx_v)

    def gather(c, b):
        return pltpu.make_async_copy(table_hbm.at[idx_v.at[c]], bufs[b], gsems[b])

    def write(c, b):
        g = base + c
        s = g // _BBLK
        bb = g % _BBLK
        return pltpu.make_async_copy(
            bufs[b], out_hbm.at[s, pl.ds(bb * _CHUNK, _CHUNK)], wsems[b]
        )

    def visit(v, b):
        @pl.when(jnp.logical_and(v >= _NSLOT, v - _NSLOT < _CHUNKS))
        def _():
            write(v - _NSLOT, b).wait()

        @pl.when(v < _CHUNKS)
        def _():
            gather(v, b).start()

        b2 = (b - _LAG) % _NSLOT

        @pl.when(jnp.logical_and(v >= _LAG, v - _LAG < _CHUNKS))
        def _():
            gather(v - _LAG, b2).wait()
            write(v - _LAG, b2).start()

    def outer(g, carry):
        v0 = g * _NSLOT
        for j in range(_NSLOT):
            visit(v0 + j, j)
        return carry

    lax.fori_loop(0, (_CHUNKS + _NSLOT) // _NSLOT + 1, outer, 0)


@functools.partial(
    pl.kernel,
    out_type=jax.ShapeDtypeStruct((_HSEQ, _ROWS, _D), jnp.float32),
    mesh=plsc.VectorSubcoreMesh(
        core_axis_name="c", subcore_axis_name="s", num_cores=_NC, num_subcores=_NS
    ),
    scratch_types=(
        [pltpu.VMEM((_CHUNKS, _CHUNK), jnp.int32)]
        + [pltpu.VMEM((_CHUNK, _D), jnp.float32) for _ in range(_NSLOT)]
        + [pltpu.SemaphoreType.DMA for _ in range(2 * _NSLOT)]
    ),
    compiler_params=pltpu.CompilerParams(use_tc_tiling_on_sc=False),
)
def _gather_rows(idx_hbm, table_hbm, out_hbm, idx_v, *bufs_sems):
    _body(idx_hbm, table_hbm, out_hbm, idx_v, *bufs_sems)


def kernel(input, table):
    idxT = input.T.astype(jnp.int32)
    halves = []
    for h in range(2):
        idx_h = idxT[h * _HSEQ : (h + 1) * _HSEQ].reshape(_NW, _CHUNKS, _CHUNK)
        halves.append(_gather_rows(idx_h, table))
    return jnp.concatenate(halves, axis=0).transpose(1, 0, 2)

# --- scband reference (transcript-rebuilt; emitter-appended) ---
"""Pipeline reference for scband-token-embedding-10007273800315 (READ-ONLY COPY).

The authoritative reference and input builder live on the scoring server;
editing this copy changes nothing except your own understanding.
"""

import jax, jax.numpy as jnp
import numpy as np

N_VOCAB = 1000000
D_MODEL = 64
PADDING_IDX = 0

def setup_inputs(seed: int = 0) -> dict:
    key = jax.random.key(seed)
    k1, k2 = jax.random.split(key)
    input = jax.random.randint(k1, (4096, 200), 0, N_VOCAB, dtype=jnp.int64 if jax.config.read('jax_enable_x64') else jnp.int32)
    table = jax.random.normal(k2, (N_VOCAB, D_MODEL), dtype=jnp.float32)
    # padding_idx row is zero-initialized in torch nn.Embedding
    table = table.at[PADDING_IDX].set(0.0)
    return {"input": input, "table": table}

def reference(input, table):
    # embedding lookup with padding_idx semantics: output at pad positions is zero
    out = jnp.take(table, input, axis=0)
    mask = (input != PADDING_IDX)[..., None].astype(out.dtype)
    return out * mask

if __name__ == "__main__":
    import jax
    _d = setup_inputs()
    print(jax.jit(kernel)(*tuple(_d.values())))

</pallas_src>

<mosaic_0001>
#map = affine_map<(d0, d1) -> (0, 0, 0)>
#map1 = affine_map<(d0, d1) -> (0, 0)>
module attributes {stable_mosaic.version = 14 : i64} {
  func.func @_gather_rows(%arg0: i32, %arg1: i32, %arg2: memref<32x50x256xi32, #tpu.memory_space<hbm>>, %arg3: memref<1000000x64xf32, #tpu.memory_space<hbm>>, %arg4: memref<100x4096x64xf32, #tpu.memory_space<hbm>>, %arg5: memref<50x256xi32, #tpu.memory_space<vmem>>, %arg6: memref<256x64xf32, #tpu.memory_space<vmem>>, %arg7: memref<256x64xf32, #tpu.memory_space<vmem>>, %arg8: memref<256x64xf32, #tpu.memory_space<vmem>>, %arg9: memref<256x64xf32, #tpu.memory_space<vmem>>, %arg10: memref<256x64xf32, #tpu.memory_space<vmem>>, %arg11: memref<256x64xf32, #tpu.memory_space<vmem>>, %arg12: memref<!tpu.dma_semaphore, #tpu.memory_space<semaphore_mem>>, %arg13: memref<!tpu.dma_semaphore, #tpu.memory_space<semaphore_mem>>, %arg14: memref<!tpu.dma_semaphore, #tpu.memory_space<semaphore_mem>>, %arg15: memref<!tpu.dma_semaphore, #tpu.memory_space<semaphore_mem>>, %arg16: memref<!tpu.dma_semaphore, #tpu.memory_space<semaphore_mem>>, %arg17: memref<!tpu.dma_semaphore, #tpu.memory_space<semaphore_mem>>, %arg18: memref<!tpu.dma_semaphore, #tpu.memory_space<semaphore_mem>>, %arg19: memref<!tpu.dma_semaphore, #tpu.memory_space<semaphore_mem>>, %arg20: memref<!tpu.dma_semaphore, #tpu.memory_space<semaphore_mem>>, %arg21: memref<!tpu.dma_semaphore, #tpu.memory_space<semaphore_mem>>, %arg22: memref<!tpu.dma_semaphore, #tpu.memory_space<semaphore_mem>>, %arg23: memref<!tpu.dma_semaphore, #tpu.memory_space<semaphore_mem>>) attributes {dimension_semantics = [#tpu.dimension_semantics<core_parallel>, #tpu.dimension_semantics<subcore_parallel>], iteration_bounds = array<i64: 2, 16>, scalar_prefetch = 0 : i64, scratch_operands = 19 : i64, tpu.core_type = #tpu.core_type<sc_vector_subcore>, window_params = [{transform_indices = #map}, {transform_indices = #map1}, {transform_indices = #map}]} {
    %mul3A = arith.constant 2 : i32
    %mul3A_0 = arith.muli %arg1, %mul3A : i32
    %add3A = arith.addi %mul3A_0, %arg0 : i32
    %mul3A_1 = arith.constant 50 : i32
    %mul3A_2 = arith.muli %add3A, %mul3A_1 : i32
    "tpu.region"() ({
      %run_scoped3A = tpu.sem_alloc : memref<!tpu.dma_semaphore, #tpu.memory_space<semaphore_mem>>
      %dma_start3A = arith.constant 0 : i32
      %dma_start3A_8 = arith.constant 0 : i32
      %dma_start3A_9 = tpu.memref_slice %arg2[%add3A, %dma_start3A, %dma_start3A_8] : memref<32x50x256xi32, #tpu.memory_space<hbm>> -> memref<1x50x256xi32, #tpu.memory_space<hbm>>
      %dma_start3A_10 = tpu.memref_squeeze %dma_start3A_9 : memref<1x50x256xi32, #tpu.memory_space<hbm>> -> memref<50x256xi32, #tpu.memory_space<hbm>>
      %dma_start3A_11 = arith.constant 0 : i32
      %dma_start3A_12 = arith.constant 0 : i32
      %dma_start3A_13 = tpu.memref_slice %arg2[%add3A, %dma_start3A_11, %dma_start3A_12] : memref<32x50x256xi32, #tpu.memory_space<hbm>> -> memref<1x50x256xi32, #tpu.memory_space<hbm>>
      %dma_start3A_14 = tpu.memref_squeeze %dma_start3A_13 : memref<1x50x256xi32, #tpu.memory_space<hbm>> -> memref<50x256xi32, #tpu.memory_space<hbm>>
      tpu.enqueue_dma source(%dma_start3A_14 : memref<50x256xi32, #tpu.memory_space<hbm>>) target(%arg5 : memref<50x256xi32, #tpu.memory_space<vmem>>) target_semaphore(%run_scoped3A : memref<!tpu.dma_semaphore, #tpu.memory_space<semaphore_mem>>)
      %dma_wait3A = arith.constant 0 : i32
      %dma_wait3A_15 = arith.constant 0 : i32
      %dma_wait3A_16 = tpu.memref_slice %arg2[%add3A, %dma_wait3A, %dma_wait3A_15] : memref<32x50x256xi32, #tpu.memory_space<hbm>> -> memref<1x50x256xi32, #tpu.memory_space<hbm>>
      %dma_wait3A_17 = tpu.memref_squeeze %dma_wait3A_16 : memref<1x50x256xi32, #tpu.memory_space<hbm>> -> memref<50x256xi32, #tpu.memory_space<hbm>>
      %dma_wait3A_18 = arith.constant 0 : i32
      %dma_wait3A_19 = arith.constant 0 : i32
      %dma_wait3A_20 = tpu.memref_slice %arg2[%add3A, %dma_wait3A_18, %dma_wait3A_19] : memref<32x50x256xi32, #tpu.memory_space<hbm>> -> memref<1x50x256xi32, #tpu.memory_space<hbm>>
      %dma_wait3A_21 = tpu.memref_squeeze %dma_wait3A_20 : memref<1x50x256xi32, #tpu.memory_space<hbm>> -> memref<50x256xi32, #tpu.memory_space<hbm>>
      tpu.wait_dma2 semaphore(%run_scoped3A : memref<!tpu.dma_semaphore, #tpu.memory_space<semaphore_mem>>) src(%dma_wait3A_21 : memref<50x256xi32, #tpu.memory_space<hbm>>) dst(%arg5 : memref<50x256xi32, #tpu.memory_space<vmem>>)
      tpu.yield
    }) : () -> ()
    %scan3A = arith.constant 0 : i32
    %scan3A_3 = arith.constant 0 : i32
    %scan3A_4 = arith.constant 10 : i32
    %scan3A_5 = arith.addi %scan3A_3, %scan3A_4 : i32
    %scan3A_6 = arith.constant 1 : i32
    scf.for %scan3A_8 = %scan3A_3 to %scan3A_5 step %scan3A_6  : i32 {
      %mul3A_9 = arith.constant 6 : i32
      %mul3A_10 = arith.muli %scan3A_8, %mul3A_9 : i32
      %add3A_11 = arith.constant 0 : i32
      %add3A_12 = arith.addi %mul3A_10, %add3A_11 : i32
      %ge3A = arith.constant 6 : i32
      %ge3A_13 = arith.cmpi sge, %add3A_12, %ge3A : i32
      %sub3A = arith.constant 6 : i32
      %sub3A_14 = arith.subi %add3A_12, %sub3A : i32
      %lt3A = arith.constant 50 : i32
      %lt3A_15 = arith.cmpi slt, %sub3A_14, %lt3A : i32
      %and3A = arith.andi %ge3A_13, %lt3A_15 : i1
      %convert_element_type3A = arith.extui %and3A : i1 to i32
      %cond3A = arith.constant 0 : i32
      %cond3A_16 = arith.cmpi ne, %convert_element_type3A, %cond3A : i32
      scf.if %cond3A_16 {
        %sub3A_167 = arith.constant 6 : i32
        %sub3A_168 = arith.subi %add3A_12, %sub3A_167 : i32
        %add3A_169 = arith.addi %mul3A_2, %sub3A_168 : i32
        %jit3A = arith.constant 16 : i32
        %div3A = arith.divsi %add3A_169, %jit3A : i32
        %sign3A = arith.constant 0 : i32
        %sign3A_170 = arith.cmpi sgt, %add3A_169, %sign3A : i32
        %sign3A_171 = arith.extui %sign3A_170 : i1 to i32
        %sign3A_172 = arith.constant 0 : i32
        %sign3A_173 = arith.cmpi slt, %add3A_169, %sign3A_172 : i32
        %sign3A_174 = arith.extui %sign3A_173 : i1 to i32
        %sign3A_175 = arith.subi %sign3A_171, %sign3A_174 : i32
        %sign3A_176 = arith.constant 0 : i32
        %sign3A_177 = arith.cmpi sgt, %jit3A, %sign3A_176 : i32
        %sign3A_178 = arith.extui %sign3A_177 : i1 to i32
        %sign3A_179 = arith.constant 0 : i32
        %sign3A_180 = arith.cmpi slt, %jit3A, %sign3A_179 : i32
        %sign3A_181 = arith.extui %sign3A_180 : i1 to i32
        %sign3A_182 = arith.subi %sign3A_178, %sign3A_181 : i32
        %ne3A = arith.cmpi ne, %sign3A_175, %sign3A_182 : i32
        %rem3A = arith.remsi %add3A_169, %jit3A : i32
        %ne3A_183 = arith.constant 0 : i32
        %ne3A_184 = arith.cmpi ne, %rem3A, %ne3A_183 : i32
        %and3A_185 = arith.andi %ne3A, %ne3A_184 : i1
        %sub3A_186 = arith.constant 1 : i32
        %sub3A_187 = arith.subi %div3A, %sub3A_186 : i32
        %select_n3A = arith.select %and3A_185, %sub3A_187, %div3A : i32
        %jit3A_188 = arith.constant 16 : i32
        %eq3A = arith.constant 0 : i32
        %eq3A_189 = arith.cmpi eq, %jit3A_188, %eq3A : i32
        %jit3A_190 = arith.constant 1 : i32
        %select_n3A_191 = arith.select %eq3A_189, %jit3A_190, %jit3A_188 : i32
        %rem3A_192 = arith.remsi %add3A_169, %select_n3A_191 : i32
        %ne3A_193 = arith.constant 0 : i32
        %ne3A_194 = arith.cmpi ne, %rem3A_192, %ne3A_193 : i32
        %lt3A_195 = arith.constant 0 : i32
        %lt3A_196 = arith.cmpi slt, %rem3A_192, %lt3A_195 : i32
        %lt3A_197 = arith.constant 0 : i32
        %lt3A_198 = arith.cmpi slt, %select_n3A_191, %lt3A_197 : i32
        %ne3A_199 = arith.xori %lt3A_196, %lt3A_198 : i1
        %and3A_200 = arith.andi %ne3A_199, %ne3A_194 : i1
        %add3A_201 = arith.addi %rem3A_192, %select_n3A_191 : i32
        %select_n3A_202 = arith.select %and3A_200, %add3A_201, %rem3A_192 : i32
        %mul3A_203 = arith.constant 256 : i32
        %mul3A_204 = arith.muli %select_n3A_202, %mul3A_203 : i32
        %dma_wait3A = arith.constant 0 : i32
        %dma_wait3A_205 = tpu.memref_slice %arg4[%select_n3A, %mul3A_204, %dma_wait3A] : memref<100x4096x64xf32, #tpu.memory_space<hbm>> -> memref<1x256x64xf32, #tpu.memory_space<hbm>>
        %dma_wait3A_206 = tpu.memref_squeeze %dma_wait3A_205 : memref<1x256x64xf32, #tpu.memory_space<hbm>> -> memref<256x64xf32, #tpu.memory_space<hbm>>
        %dma_wait3A_207 = arith.constant 0 : i32
        %dma_wait3A_208 = tpu.memref_slice %arg4[%select_n3A, %mul3A_204, %dma_wait3A_207] : memref<100x4096x64xf32, #tpu.memory_space<hbm>> -> memref<1x256x64xf32, #tpu.memory_space<hbm>>
        %dma_wait3A_209 = tpu.memref_squeeze %dma_wait3A_208 : memref<1x256x64xf32, #tpu.memory_space<hbm>> -> memref<256x64xf32, #tpu.memory_space<hbm>>
        tpu.wait_dma2 semaphore(%arg18 : memref<!tpu.dma_semaphore, #tpu.memory_space<semaphore_mem>>) src(%arg6 : memref<256x64xf32, #tpu.memory_space<vmem>>) dst(%dma_wait3A_209 : memref<256x64xf32, #tpu.memory_space<hbm>>)
      } else {
      }
      %lt3A_17 = arith.constant 50 : i32
      %lt3A_18 = arith.cmpi slt, %add3A_12, %lt3A_17 : i32
      %convert_element_type3A_19 = arith.extui %lt3A_18 : i1 to i32
      %cond3A_20 = arith.constant 0 : i32
      %cond3A_21 = arith.cmpi ne, %convert_element_type3A_19, %cond3A_20 : i32
      scf.if %cond3A_21 {
        %dma_start3A = arith.constant 0 : i32
        %dma_start3A_167 = tpu.memref_slice %arg5[%add3A_12, %dma_start3A] : memref<50x256xi32, #tpu.memory_space<vmem>> -> memref<1x256xi32, #tpu.memory_space<vmem>>
        %dma_start3A_168 = tpu.memref_squeeze %dma_start3A_167 : memref<1x256xi32, #tpu.memory_space<vmem>> -> memref<256xi32, #tpu.memory_space<vmem>>
        %dma_start3A_169 = arith.constant 0 : i32
        %dma_start3A_170 = arith.constant 0 : i32
        %dma_start3A_171 = tpu.memref_slice %arg3[%dma_start3A_169, %dma_start3A_170] : memref<1000000x64xf32, #tpu.memory_space<hbm>> -> memref<1000000x64xf32, #tpu.memory_space<hbm>>
        tpu.enqueue_indirect_dma source(%dma_start3A_171 : memref<1000000x64xf32, #tpu.memory_space<hbm>>) target(%arg6 : memref<256x64xf32, #tpu.memory_space<vmem>>) offsets(%dma_start3A_168 : memref<256xi32, #tpu.memory_space<vmem>>) semaphore(%arg12 : memref<!tpu.dma_semaphore, #tpu.memory_space<semaphore_mem>>)
      } else {
      }
      %ge3A_22 = arith.constant 3 : i32
      %ge3A_23 = arith.cmpi sge, %add3A_12, %ge3A_22 : i32
      %sub3A_24 = arith.constant 3 : i32
      %sub3A_25 = arith.subi %add3A_12, %sub3A_24 : i32
      %lt3A_26 = arith.constant 50 : i32
      %lt3A_27 = arith.cmpi slt, %sub3A_25, %lt3A_26 : i32
      %and3A_28 = arith.andi %ge3A_23, %lt3A_27 : i1
      %convert_element_type3A_29 = arith.extui %and3A_28 : i1 to i32
      %cond3A_30 = arith.constant 0 : i32
      %cond3A_31 = arith.cmpi ne, %convert_element_type3A_29, %cond3A_30 : i32
      scf.if %cond3A_31 {
        %sub3A_167 = arith.constant 3 : i32
        %sub3A_168 = arith.subi %add3A_12, %sub3A_167 : i32
        %dma_wait3A = arith.constant 0 : i32
        %dma_wait3A_169 = tpu.memref_slice %arg5[%sub3A_168, %dma_wait3A] : memref<50x256xi32, #tpu.memory_space<vmem>> -> memref<1x256xi32, #tpu.memory_space<vmem>>
        %dma_wait3A_170 = tpu.memref_squeeze %dma_wait3A_169 : memref<1x256xi32, #tpu.memory_space<vmem>> -> memref<256xi32, #tpu.memory_space<vmem>>
        %dma_wait3A_171 = arith.constant 0 : i32
        %dma_wait3A_172 = arith.constant 0 : i32
        %dma_wait3A_173 = tpu.memref_slice %arg3[%dma_wait3A_171, %dma_wait3A_172] : memref<1000000x64xf32, #tpu.memory_space<hbm>> -> memref<1000000x64xf32, #tpu.memory_space<hbm>>
        tpu.wait_indirect_dma semaphore(%arg15 : memref<!tpu.dma_semaphore, #tpu.memory_space<semaphore_mem>>) src(%dma_wait3A_173 : memref<1000000x64xf32, #tpu.memory_space<hbm>>) dst(%arg9 : memref<256x64xf32, #tpu.memory_space<vmem>>)
        %sub3A_174 = arith.constant 3 : i32
        %sub3A_175 = arith.subi %add3A_12, %sub3A_174 : i32
        %add3A_176 = arith.addi %mul3A_2, %sub3A_175 : i32
        %jit3A = arith.constant 16 : i32
        %div3A = arith.divsi %add3A_176, %jit3A : i32
        %sign3A = arith.constant 0 : i32
        %sign3A_177 = arith.cmpi sgt, %add3A_176, %sign3A : i32
        %sign3A_178 = arith.extui %sign3A_177 : i1 to i32
        %sign3A_179 = arith.constant 0 : i32
        %sign3A_180 = arith.cmpi slt, %add3A_176, %sign3A_179 : i32
        %sign3A_181 = arith.extui %sign3A_180 : i1 to i32
        %sign3A_182 = arith.subi %sign3A_178, %sign3A_181 : i32
        %sign3A_183 = arith.constant 0 : i32
        %sign3A_184 = arith.cmpi sgt, %jit3A, %sign3A_183 : i32
        %sign3A_185 = arith.extui %sign3A_184 : i1 to i32
        %sign3A_186 = arith.constant 0 : i32
        %sign3A_187 = arith.cmpi slt, %jit3A, %sign3A_186 : i32
        %sign3A_188 = arith.extui %sign3A_187 : i1 to i32
        %sign3A_189 = arith.subi %sign3A_185, %sign3A_188 : i32
        %ne3A = arith.cmpi ne, %sign3A_182, %sign3A_189 : i32
        %rem3A = arith.remsi %add3A_176, %jit3A : i32
        %ne3A_190 = arith.constant 0 : i32
        %ne3A_191 = arith.cmpi ne, %rem3A, %ne3A_190 : i32
        %and3A_192 = arith.andi %ne3A, %ne3A_191 : i1
        %sub3A_193 = arith.constant 1 : i32
        %sub3A_194 = arith.subi %div3A, %sub3A_193 : i32
        %select_n3A = arith.select %and3A_192, %sub3A_194, %div3A : i32
        %jit3A_195 = arith.constant 16 : i32
        %eq3A = arith.constant 0 : i32
        %eq3A_196 = arith.cmpi eq, %jit3A_195, %eq3A : i32
        %jit3A_197 = arith.constant 1 : i32
        %select_n3A_198 = arith.select %eq3A_196, %jit3A_197, %jit3A_195 : i32
        %rem3A_199 = arith.remsi %add3A_176, %select_n3A_198 : i32
        %ne3A_200 = arith.constant 0 : i32
        %ne3A_201 = arith.cmpi ne, %rem3A_199, %ne3A_200 : i32
        %lt3A_202 = arith.constant 0 : i32
        %lt3A_203 = arith.cmpi slt, %rem3A_199, %lt3A_202 : i32
        %lt3A_204 = arith.constant 0 : i32
        %lt3A_205 = arith.cmpi slt, %select_n3A_198, %lt3A_204 : i32
        %ne3A_206 = arith.xori %lt3A_203, %lt3A_205 : i1
        %and3A_207 = arith.andi %ne3A_206, %ne3A_201 : i1
        %add3A_208 = arith.addi %rem3A_199, %select_n3A_198 : i32
        %select_n3A_209 = arith.select %and3A_207, %add3A_208, %rem3A_199 : i32
        %mul3A_210 = arith.constant 256 : i32
        %mul3A_211 = arith.muli %select_n3A_209, %mul3A_210 : i32
        %dma_start3A = arith.constant 0 : i32
        %dma_start3A_212 = tpu.memref_slice %arg4[%select_n3A, %mul3A_211, %dma_start3A] : memref<100x4096x64xf32, #tpu.memory_space<hbm>> -> memref<1x256x64xf32, #tpu.memory_space<hbm>>
        %dma_start3A_213 = tpu.memref_squeeze %dma_start3A_212 : memref<1x256x64xf32, #tpu.memory_space<hbm>> -> memref<256x64xf32, #tpu.memory_space<hbm>>
        %dma_start3A_214 = arith.constant 0 : i32
        %dma_start3A_215 = tpu.memref_slice %arg4[%select_n3A, %mul3A_211, %dma_start3A_214] : memref<100x4096x64xf32, #tpu.memory_space<hbm>> -> memref<1x256x64xf32, #tpu.memory_space<hbm>>
        %dma_start3A_216 = tpu.memref_squeeze %dma_start3A_215 : memref<1x256x64xf32, #tpu.memory_space<hbm>> -> memref<256x64xf32, #tpu.memory_space<hbm>>
        tpu.enqueue_dma source(%arg9 : memref<256x64xf32, #tpu.memory_space<vmem>>) target(%dma_start3A_216 : memref<256x64xf32, #tpu.memory_space<hbm>>) target_semaphore(%arg21 : memref<!tpu.dma_semaphore, #tpu.memory_space<semaphore_mem>>)
      } else {
      }
      %add3A_32 = arith.constant 1 : i32
      %add3A_33 = arith.addi %mul3A_10, %add3A_32 : i32
      %ge3A_34 = arith.constant 6 : i32
      %ge3A_35 = arith.cmpi sge, %add3A_33, %ge3A_34 : i32
      %sub3A_36 = arith.constant 6 : i32
      %sub3A_37 = arith.subi %add3A_33, %sub3A_36 : i32
      %lt3A_38 = arith.constant 50 : i32
      %lt3A_39 = arith.cmpi slt, %sub3A_37, %lt3A_38 : i32
      %and3A_40 = arith.andi %ge3A_35, %lt3A_39 : i1
      %convert_element_type3A_41 = arith.extui %and3A_40 : i1 to i32
      %cond3A_42 = arith.constant 0 : i32
      %cond3A_43 = arith.cmpi ne, %convert_element_type3A_41, %cond3A_42 : i32
      scf.if %cond3A_43 {
        %sub3A_167 = arith.constant 6 : i32
        %sub3A_168 = arith.subi %add3A_33, %sub3A_167 : i32
        %add3A_169 = arith.addi %mul3A_2, %sub3A_168 : i32
        %jit3A = arith.constant 16 : i32
        %div3A = arith.divsi %add3A_169, %jit3A : i32
        %sign3A = arith.constant 0 : i32
        %sign3A_170 = arith.cmpi sgt, %add3A_169, %sign3A : i32
        %sign3A_171 = arith.extui %sign3A_170 : i1 to i32
        %sign3A_172 = arith.constant 0 : i32
        %sign3A_173 = arith.cmpi slt, %add3A_169, %sign3A_172 : i32
        %sign3A_174 = arith.extui %sign3A_173 : i1 to i32
        %sign3A_175 = arith.subi %sign3A_171, %sign3A_174 : i32
        %sign3A_176 = arith.constant 0 : i32
        %sign3A_177 = arith.cmpi sgt, %jit3A, %sign3A_176 : i32
        %sign3A_178 = arith.extui %sign3A_177 : i1 to i32
        %sign3A_179 = arith.constant 0 : i32
        %sign3A_180 = arith.cmpi slt, %jit3A, %sign3A_179 : i32
        %sign3A_181 = arith.extui %sign3A_180 : i1 to i32
        %sign3A_182 = arith.subi %sign3A_178, %sign3A_181 : i32
        %ne3A = arith.cmpi ne, %sign3A_175, %sign3A_182 : i32
        %rem3A = arith.remsi %add3A_169, %jit3A : i32
        %ne3A_183 = arith.constant 0 : i32
        %ne3A_184 = arith.cmpi ne, %rem3A, %ne3A_183 : i32
        %and3A_185 = arith.andi %ne3A, %ne3A_184 : i1
        %sub3A_186 = arith.constant 1 : i32
        %sub3A_187 = arith.subi %div3A, %sub3A_186 : i32
        %select_n3A = arith.select %and3A_185, %sub3A_187, %div3A : i32
        %jit3A_188 = arith.constant 16 : i32
        %eq3A = arith.constant 0 : i32
        %eq3A_189 = arith.cmpi eq, %jit3A_188, %eq3A : i32
        %jit3A_190 = arith.constant 1 : i32
        %select_n3A_191 = arith.select %eq3A_189, %jit3A_190, %jit3A_188 : i32
        %rem3A_192 = arith.remsi %add3A_169, %select_n3A_191 : i32
        %ne3A_193 = arith.constant 0 : i32
        %ne3A_194 = arith.cmpi ne, %rem3A_192, %ne3A_193 : i32
        %lt3A_195 = arith.constant 0 : i32
        %lt3A_196 = arith.cmpi slt, %rem3A_192, %lt3A_195 : i32
        %lt3A_197 = arith.constant 0 : i32
        %lt3A_198 = arith.cmpi slt, %select_n3A_191, %lt3A_197 : i32
        %ne3A_199 = arith.xori %lt3A_196, %lt3A_198 : i1
        %and3A_200 = arith.andi %ne3A_199, %ne3A_194 : i1
        %add3A_201 = arith.addi %rem3A_192, %select_n3A_191 : i32
        %select_n3A_202 = arith.select %and3A_200, %add3A_201, %rem3A_192 : i32
        %mul3A_203 = arith.constant 256 : i32
        %mul3A_204 = arith.muli %select_n3A_202, %mul3A_203 : i32
        %dma_wait3A = arith.constant 0 : i32
        %dma_wait3A_205 = tpu.memref_slice %arg4[%select_n3A, %mul3A_204, %dma_wait3A] : memref<100x4096x64xf32, #tpu.memory_space<hbm>> -> memref<1x256x64xf32, #tpu.memory_space<hbm>>
        %dma_wait3A_206 = tpu.memref_squeeze %dma_wait3A_205 : memref<1x256x64xf32, #tpu.memory_space<hbm>> -> memref<256x64xf32, #tpu.memory_space<hbm>>
        %dma_wait3A_207 = arith.constant 0 : i32
        %dma_wait3A_208 = tpu.memref_slice %arg4[%select_n3A, %mul3A_204, %dma_wait3A_207] : memref<100x4096x64xf32, #tpu.memory_space<hbm>> -> memref<1x256x64xf32, #tpu.memory_space<hbm>>
        %dma_wait3A_209 = tpu.memref_squeeze %dma_wait3A_208 : memref<1x256x64xf32, #tpu.memory_space<hbm>> -> memref<256x64xf32, #tpu.memory_space<hbm>>
        tpu.wait_dma2 semaphore(%arg19 : memref<!tpu.dma_semaphore, #tpu.memory_space<semaphore_mem>>) src(%arg7 : memref<256x64xf32, #tpu.memory_space<vmem>>) dst(%dma_wait3A_209 : memref<256x64xf32, #tpu.memory_space<hbm>>)
      } else {
      }
      %lt3A_44 = arith.constant 50 : i32
      %lt3A_45 = arith.cmpi slt, %add3A_33, %lt3A_44 : i32
      %convert_element_type3A_46 = arith.extui %lt3A_45 : i1 to i32
      %cond3A_47 = arith.constant 0 : i32
      %cond3A_48 = arith.cmpi ne, %convert_element_type3A_46, %cond3A_47 : i32
      scf.if %cond3A_48 {
        %dma_start3A = arith.constant 0 : i32
        %dma_start3A_167 = tpu.memref_slice %arg5[%add3A_33, %dma_start3A] : memref<50x256xi32, #tpu.memory_space<vmem>> -> memref<1x256xi32, #tpu.memory_space<vmem>>
        %dma_start3A_168 = tpu.memref_squeeze %dma_start3A_167 : memref<1x256xi32, #tpu.memory_space<vmem>> -> memref<256xi32, #tpu.memory_space<vmem>>
        %dma_start3A_169 = arith.constant 0 : i32
        %dma_start3A_170 = arith.constant 0 : i32
        %dma_start3A_171 = tpu.memref_slice %arg3[%dma_start3A_169, %dma_start3A_170] : memref<1000000x64xf32, #tpu.memory_space<hbm>> -> memref<1000000x64xf32, #tpu.memory_space<hbm>>
        tpu.enqueue_indirect_dma source(%dma_start3A_171 : memref<1000000x64xf32, #tpu.memory_space<hbm>>) target(%arg7 : memref<256x64xf32, #tpu.memory_space<vmem>>) offsets(%dma_start3A_168 : memref<256xi32, #tpu.memory_space<vmem>>) semaphore(%arg13 : memref<!tpu.dma_semaphore, #tpu.memory_space<semaphore_mem>>)
      } else {
      }
      %ge3A_49 = arith.constant 3 : i32
      %ge3A_50 = arith.cmpi sge, %add3A_33, %ge3A_49 : i32
      %sub3A_51 = arith.constant 3 : i32
      %sub3A_52 = arith.subi %add3A_33, %sub3A_51 : i32
      %lt3A_53 = arith.constant 50 : i32
      %lt3A_54 = arith.cmpi slt, %sub3A_52, %lt3A_53 : i32
      %and3A_55 = arith.andi %ge3A_50, %lt3A_54 : i1
      %convert_element_type3A_56 = arith.extui %and3A_55 : i1 to i32
      %cond3A_57 = arith.constant 0 : i32
      %cond3A_58 = arith.cmpi ne, %convert_element_type3A_56, %cond3A_57 : i32
      scf.if %cond3A_58 {
        %sub3A_167 = arith.constant 3 : i32
        %sub3A_168 = arith.subi %add3A_33, %sub3A_167 : i32
        %dma_wait3A = arith.constant 0 : i32
        %dma_wait3A_169 = tpu.memref_slice %arg5[%sub3A_168, %dma_wait3A] : memref<50x256xi32, #tpu.memory_space<vmem>> -> memref<1x256xi32, #tpu.memory_space<vmem>>
        %dma_wait3A_170 = tpu.memref_squeeze %dma_wait3A_169 : memref<1x256xi32, #tpu.memory_space<vmem>> -> memref<256xi32, #tpu.memory_space<vmem>>
        %dma_wait3A_171 = arith.constant 0 : i32
        %dma_wait3A_172 = arith.constant 0 : i32
        %dma_wait3A_173 = tpu.memref_slice %arg3[%dma_wait3A_171, %dma_wait3A_172] : memref<1000000x64xf32, #tpu.memory_space<hbm>> -> memref<1000000x64xf32, #tpu.memory_space<hbm>>
        tpu.wait_indirect_dma semaphore(%arg16 : memref<!tpu.dma_semaphore, #tpu.memory_space<semaphore_mem>>) src(%dma_wait3A_173 : memref<1000000x64xf32, #tpu.memory_space<hbm>>) dst(%arg10 : memref<256x64xf32, #tpu.memory_space<vmem>>)
        %sub3A_174 = arith.constant 3 : i32
        %sub3A_175 = arith.subi %add3A_33, %sub3A_174 : i32
        %add3A_176 = arith.addi %mul3A_2, %sub3A_175 : i32
        %jit3A = arith.constant 16 : i32
        %div3A = arith.divsi %add3A_176, %jit3A : i32
        %sign3A = arith.constant 0 : i32
        %sign3A_177 = arith.cmpi sgt, %add3A_176, %sign3A : i32
        %sign3A_178 = arith.extui %sign3A_177 : i1 to i32
        %sign3A_179 = arith.constant 0 : i32
        %sign3A_180 = arith.cmpi slt, %add3A_176, %sign3A_179 : i32
        %sign3A_181 = arith.extui %sign3A_180 : i1 to i32
        %sign3A_182 = arith.subi %sign3A_178, %sign3A_181 : i32
        %sign3A_183 = arith.constant 0 : i32
        %sign3A_184 = arith.cmpi sgt, %jit3A, %sign3A_183 : i32
        %sign3A_185 = arith.extui %sign3A_184 : i1 to i32
        %sign3A_186 = arith.constant 0 : i32
        %sign3A_187 = arith.cmpi slt, %jit3A, %sign3A_186 : i32
        %sign3A_188 = arith.extui %sign3A_187 : i1 to i32
        %sign3A_189 = arith.subi %sign3A_185, %sign3A_188 : i32
        %ne3A = arith.cmpi ne, %sign3A_182, %sign3A_189 : i32
        %rem3A = arith.remsi %add3A_176, %jit3A : i32
        %ne3A_190 = arith.constant 0 : i32
        %ne3A_191 = arith.cmpi ne, %rem3A, %ne3A_190 : i32
        %and3A_192 = arith.andi %ne3A, %ne3A_191 : i1
        %sub3A_193 = arith.constant 1 : i32
        %sub3A_194 = arith.subi %div3A, %sub3A_193 : i32
        %select_n3A = arith.select %and3A_192, %sub3A_194, %div3A : i32
        %jit3A_195 = arith.constant 16 : i32
        %eq3A = arith.constant 0 : i32
        %eq3A_196 = arith.cmpi eq, %jit3A_195, %eq3A : i32
        %jit3A_197 = arith.constant 1 : i32
        %select_n3A_198 = arith.select %eq3A_196, %jit3A_197, %jit3A_195 : i32
        %rem3A_199 = arith.remsi %add3A_176, %select_n3A_198 : i32
        %ne3A_200 = arith.constant 0 : i32
        %ne3A_201 = arith.cmpi ne, %rem3A_199, %ne3A_200 : i32
        %lt3A_202 = arith.constant 0 : i32
        %lt3A_203 = arith.cmpi slt, %rem3A_199, %lt3A_202 : i32
        %lt3A_204 = arith.constant 0 : i32
        %lt3A_205 = arith.cmpi slt, %select_n3A_198, %lt3A_204 : i32
        %ne3A_206 = arith.xori %lt3A_203, %lt3A_205 : i1
        %and3A_207 = arith.andi %ne3A_206, %ne3A_201 : i1
        %add3A_208 = arith.addi %rem3A_199, %select_n3A_198 : i32
        %select_n3A_209 = arith.select %and3A_207, %add3A_208, %rem3A_199 : i32
        %mul3A_210 = arith.constant 256 : i32
        %mul3A_211 = arith.muli %select_n3A_209, %mul3A_210 : i32
        %dma_start3A = arith.constant 0 : i32
        %dma_start3A_212 = tpu.memref_slice %arg4[%select_n3A, %mul3A_211, %dma_start3A] : memref<100x4096x64xf32, #tpu.memory_space<hbm>> -> memref<1x256x64xf32, #tpu.memory_space<hbm>>
        %dma_start3A_213 = tpu.memref_squeeze %dma_start3A_212 : memref<1x256x64xf32, #tpu.memory_space<hbm>> -> memref<256x64xf32, #tpu.memory_space<hbm>>
        %dma_start3A_214 = arith.constant 0 : i32
        %dma_start3A_215 = tpu.memref_slice %arg4[%select_n3A, %mul3A_211, %dma_start3A_214] : memref<100x4096x64xf32, #tpu.memory_space<hbm>> -> memref<1x256x64xf32, #tpu.memory_space<hbm>>
        %dma_start3A_216 = tpu.memref_squeeze %dma_start3A_215 : memref<1x256x64xf32, #tpu.memory_space<hbm>> -> memref<256x64xf32, #tpu.memory_space<hbm>>
        tpu.enqueue_dma source(%arg10 : memref<256x64xf32, #tpu.memory_space<vmem>>) target(%dma_start3A_216 : memref<256x64xf32, #tpu.memory_space<hbm>>) target_semaphore(%arg22 : memref<!tpu.dma_semaphore, #tpu.memory_space<semaphore_mem>>)
      } else {
      }
      %add3A_59 = arith.constant 2 : i32
      %add3A_60 = arith.addi %mul3A_10, %add3A_59 : i32
      %ge3A_61 = arith.constant 6 : i32
      %ge3A_62 = arith.cmpi sge, %add3A_60, %ge3A_61 : i32
      %sub3A_63 = arith.constant 6 : i32
      %sub3A_64 = arith.subi %add3A_60, %sub3A_63 : i32
      %lt3A_65 = arith.constant 50 : i32
      %lt3A_66 = arith.cmpi slt, %sub3A_64, %lt3A_65 : i32
      %and3A_67 = arith.andi %ge3A_62, %lt3A_66 : i1
      %convert_element_type3A_68 = arith.extui %and3A_67 : i1 to i32
      %cond3A_69 = arith.constant 0 : i32
      %cond3A_70 = arith.cmpi ne, %convert_element_type3A_68, %cond3A_69 : i32
      scf.if %cond3A_70 {
        %sub3A_167 = arith.constant 6 : i32
        %sub3A_168 = arith.subi %add3A_60, %sub3A_167 : i32
        %add3A_169 = arith.addi %mul3A_2, %sub3A_168 : i32
        %jit3A = arith.constant 16 : i32
        %div3A = arith.divsi %add3A_169, %jit3A : i32
        %sign3A = arith.constant 0 : i32
        %sign3A_170 = arith.cmpi sgt, %add3A_169, %sign3A : i32
        %sign3A_171 = arith.extui %sign3A_170 : i1 to i32
        %sign3A_172 = arith.constant 0 : i32
        %sign3A_173 = arith.cmpi slt, %add3A_169, %sign3A_172 : i32
        %sign3A_174 = arith.extui %sign3A_173 : i1 to i32
        %sign3A_175 = arith.subi %sign3A_171, %sign3A_174 : i32
        %sign3A_176 = arith.constant 0 : i32
        %sign3A_177 = arith.cmpi sgt, %jit3A, %sign3A_176 : i32
        %sign3A_178 = arith.extui %sign3A_177 : i1 to i32
        %sign3A_179 = arith.constant 0 : i32
        %sign3A_180 = arith.cmpi slt, %jit3A, %sign3A_179 : i32
        %sign3A_181 = arith.extui %sign3A_180 : i1 to i32
        %sign3A_182 = arith.subi %sign3A_178, %sign3A_181 : i32
        %ne3A = arith.cmpi ne, %sign3A_175, %sign3A_182 : i32
        %rem3A = arith.remsi %add3A_169, %jit3A : i32
        %ne3A_183 = arith.constant 0 : i32
        %ne3A_184 = arith.cmpi ne, %rem3A, %ne3A_183 : i32
        %and3A_185 = arith.andi %ne3A, %ne3A_184 : i1
        %sub3A_186 = arith.constant 1 : i32
        %sub3A_187 = arith.subi %div3A, %sub3A_186 : i32
        %select_n3A = arith.select %and3A_185, %sub3A_187, %div3A : i32
        %jit3A_188 = arith.constant 16 : i32
        %eq3A = arith.constant 0 : i32
        %eq3A_189 = arith.cmpi eq, %jit3A_188, %eq3A : i32
        %jit3A_190 = arith.constant 1 : i32
        %select_n3A_191 = arith.select %eq3A_189, %jit3A_190, %jit3A_188 : i32
        %rem3A_192 = arith.remsi %add3A_169, %select_n3A_191 : i32
        %ne3A_193 = arith.constant 0 : i32
        %ne3A_194 = arith.cmpi ne, %rem3A_192, %ne3A_193 : i32
        %lt3A_195 = arith.constant 0 : i32
        %lt3A_196 = arith.cmpi slt, %rem3A_192, %lt3A_195 : i32
        %lt3A_197 = arith.constant 0 : i32
        %lt3A_198 = arith.cmpi slt, %select_n3A_191, %lt3A_197 : i32
        %ne3A_199 = arith.xori %lt3A_196, %lt3A_198 : i1
        %and3A_200 = arith.andi %ne3A_199, %ne3A_194 : i1
        %add3A_201 = arith.addi %rem3A_192, %select_n3A_191 : i32
        %select_n3A_202 = arith.select %and3A_200, %add3A_201, %rem3A_192 : i32
        %mul3A_203 = arith.constant 256 : i32
        %mul3A_204 = arith.muli %select_n3A_202, %mul3A_203 : i32
        %dma_wait3A = arith.constant 0 : i32
        %dma_wait3A_205 = tpu.memref_slice %arg4[%select_n3A, %mul3A_204, %dma_wait3A] : memref<100x4096x64xf32, #tpu.memory_space<hbm>> -> memref<1x256x64xf32, #tpu.memory_space<hbm>>
        %dma_wait3A_206 = tpu.memref_squeeze %dma_wait3A_205 : memref<1x256x64xf32, #tpu.memory_space<hbm>> -> memref<256x64xf32, #tpu.memory_space<hbm>>
        %dma_wait3A_207 = arith.constant 0 : i32
        %dma_wait3A_208 = tpu.memref_slice %arg4[%select_n3A, %mul3A_204, %dma_wait3A_207] : memref<100x4096x64xf32, #tpu.memory_space<hbm>> -> memref<1x256x64xf32, #tpu.memory_space<hbm>>
        %dma_wait3A_209 = tpu.memref_squeeze %dma_wait3A_208 : memref<1x256x64xf32, #tpu.memory_space<hbm>> -> memref<256x64xf32, #tpu.memory_space<hbm>>
        tpu.wait_dma2 semaphore(%arg20 : memref<!tpu.dma_semaphore, #tpu.memory_space<semaphore_mem>>) src(%arg8 : memref<256x64xf32, #tpu.memory_space<vmem>>) dst(%dma_wait3A_209 : memref<256x64xf32, #tpu.memory_space<hbm>>)
      } else {
      }
      %lt3A_71 = arith.constant 50 : i32
      %lt3A_72 = arith.cmpi slt, %add3A_60, %lt3A_71 : i32
      %convert_element_type3A_73 = arith.extui %lt3A_72 : i1 to i32
      %cond3A_74 = arith.constant 0 : i32
      %cond3A_75 = arith.cmpi ne, %convert_element_type3A_73, %cond3A_74 : i32
      scf.if %cond3A_75 {
        %dma_start3A = arith.constant 0 : i32
        %dma_start3A_167 = tpu.memref_slice %arg5[%add3A_60, %dma_start3A] : memref<50x256xi32, #tpu.memory_space<vmem>> -> memref<1x256xi32, #tpu.memory_space<vmem>>
        %dma_start3A_168 = tpu.memref_squeeze %dma_start3A_167 : memref<1x256xi32, #tpu.memory_space<vmem>> -> memref<256xi32, #tpu.memory_space<vmem>>
        %dma_start3A_169 = arith.constant 0 : i32
        %dma_start3A_170 = arith.constant 0 : i32
        %dma_start3A_171 = tpu.memref_slice %arg3[%dma_start3A_169, %dma_start3A_170] : memref<1000000x64xf32, #tpu.memory_space<hbm>> -> memref<1000000x64xf32, #tpu.memory_space<hbm>>
        tpu.enqueue_indirect_dma source(%dma_start3A_171 : memref<1000000x64xf32, #tpu.memory_space<hbm>>) target(%arg8 : memref<256x64xf32, #tpu.memory_space<vmem>>) offsets(%dma_start3A_168 : memref<256xi32, #tpu.memory_space<vmem>>) semaphore(%arg14 : memref<!tpu.dma_semaphore, #tpu.memory_space<semaphore_mem>>)
      } else {
      }
      %ge3A_76 = arith.constant 3 : i32
      %ge3A_77 = arith.cmpi sge, %add3A_60, %ge3A_76 : i32
      %sub3A_78 = arith.constant 3 : i32
      %sub3A_79 = arith.subi %add3A_60, %sub3A_78 : i32
      %lt3A_80 = arith.constant 50 : i32
      %lt3A_81 = arith.cmpi slt, %sub3A_79, %lt3A_80 : i32
      %and3A_82 = arith.andi %ge3A_77, %lt3A_81 : i1
      %convert_element_type3A_83 = arith.extui %and3A_82 : i1 to i32
      %cond3A_84 = arith.constant 0 : i32
      %cond3A_85 = arith.cmpi ne, %convert_element_type3A_83, %cond3A_84 : i32
      scf.if %cond3A_85 {
        %sub3A_167 = arith.constant 3 : i32
        %sub3A_168 = arith.subi %add3A_60, %sub3A_167 : i32
        %dma_wait3A = arith.constant 0 : i32
        %dma_wait3A_169 = tpu.memref_slice %arg5[%sub3A_168, %dma_wait3A] : memref<50x256xi32, #tpu.memory_space<vmem>> -> memref<1x256xi32, #tpu.memory_space<vmem>>
        %dma_wait3A_170 = tpu.memref_squeeze %dma_wait3A_169 : memref<1x256xi32, #tpu.memory_space<vmem>> -> memref<256xi32, #tpu.memory_space<vmem>>
        %dma_wait3A_171 = arith.constant 0 : i32
        %dma_wait3A_172 = arith.constant 0 : i32
        %dma_wait3A_173 = tpu.memref_slice %arg3[%dma_wait3A_171, %dma_wait3A_172] : memref<1000000x64xf32, #tpu.memory_space<hbm>> -> memref<1000000x64xf32, #tpu.memory_space<hbm>>
        tpu.wait_indirect_dma semaphore(%arg17 : memref<!tpu.dma_semaphore, #tpu.memory_space<semaphore_mem>>) src(%dma_wait3A_173 : memref<1000000x64xf32, #tpu.memory_space<hbm>>) dst(%arg11 : memref<256x64xf32, #tpu.memory_space<vmem>>)
        %sub3A_174 = arith.constant 3 : i32
        %sub3A_175 = arith.subi %add3A_60, %sub3A_174 : i32
        %add3A_176 = arith.addi %mul3A_2, %sub3A_175 : i32
        %jit3A = arith.constant 16 : i32
        %div3A = arith.divsi %add3A_176, %jit3A : i32
        %sign3A = arith.constant 0 : i32
        %sign3A_177 = arith.cmpi sgt, %add3A_176, %sign3A : i32
        %sign3A_178 = arith.extui %sign3A_177 : i1 to i32
        %sign3A_179 = arith.constant 0 : i32
        %sign3A_180 = arith.cmpi slt, %add3A_176, %sign3A_179 : i32
        %sign3A_181 = arith.extui %sign3A_180 : i1 to i32
        %sign3A_182 = arith.subi %sign3A_178, %sign3A_181 : i32
        %sign3A_183 = arith.constant 0 : i32
        %sign3A_184 = arith.cmpi sgt, %jit3A, %sign3A_183 : i32
        %sign3A_185 = arith.extui %sign3A_184 : i1 to i32
        %sign3A_186 = arith.constant 0 : i32
        %sign3A_187 = arith.cmpi slt, %jit3A, %sign3A_186 : i32
        %sign3A_188 = arith.extui %sign3A_187 : i1 to i32
        %sign3A_189 = arith.subi %sign3A_185, %sign3A_188 : i32
        %ne3A = arith.cmpi ne, %sign3A_182, %sign3A_189 : i32
        %rem3A = arith.remsi %add3A_176, %jit3A : i32
        %ne3A_190 = arith.constant 0 : i32
        %ne3A_191 = arith.cmpi ne, %rem3A, %ne3A_190 : i32
        %and3A_192 = arith.andi %ne3A, %ne3A_191 : i1
        %sub3A_193 = arith.constant 1 : i32
        %sub3A_194 = arith.subi %div3A, %sub3A_193 : i32
        %select_n3A = arith.select %and3A_192, %sub3A_194, %div3A : i32
        %jit3A_195 = arith.constant 16 : i32
        %eq3A = arith.constant 0 : i32
        %eq3A_196 = arith.cmpi eq, %jit3A_195, %eq3A : i32
        %jit3A_197 = arith.constant 1 : i32
        %select_n3A_198 = arith.select %eq3A_196, %jit3A_197, %jit3A_195 : i32
        %rem3A_199 = arith.remsi %add3A_176, %select_n3A_198 : i32
        %ne3A_200 = arith.constant 0 : i32
        %ne3A_201 = arith.cmpi ne, %rem3A_199, %ne3A_200 : i32
        %lt3A_202 = arith.constant 0 : i32
        %lt3A_203 = arith.cmpi slt, %rem3A_199, %lt3A_202 : i32
        %lt3A_204 = arith.constant 0 : i32
        %lt3A_205 = arith.cmpi slt, %select_n3A_198, %lt3A_204 : i32
        %ne3A_206 = arith.xori %lt3A_203, %lt3A_205 : i1
        %and3A_207 = arith.andi %ne3A_206, %ne3A_201 : i1
        %add3A_208 = arith.addi %rem3A_199, %select_n3A_198 : i32
        %select_n3A_209 = arith.select %and3A_207, %add3A_208, %rem3A_199 : i32
        %mul3A_210 = arith.constant 256 : i32
        %mul3A_211 = arith.muli %select_n3A_209, %mul3A_210 : i32
        %dma_start3A = arith.constant 0 : i32
        %dma_start3A_212 = tpu.memref_slice %arg4[%select_n3A, %mul3A_211, %dma_start3A] : memref<100x4096x64xf32, #tpu.memory_space<hbm>> -> memref<1x256x64xf32, #tpu.memory_space<hbm>>
        %dma_start3A_213 = tpu.memref_squeeze %dma_start3A_212 : memref<1x256x64xf32, #tpu.memory_space<hbm>> -> memref<256x64xf32, #tpu.memory_space<hbm>>
        %dma_start3A_214 = arith.constant 0 : i32
        %dma_start3A_215 = tpu.memref_slice %arg4[%select_n3A, %mul3A_211, %dma_start3A_214] : memref<100x4096x64xf32, #tpu.memory_space<hbm>> -> memref<1x256x64xf32, #tpu.memory_space<hbm>>
        %dma_start3A_216 = tpu.memref_squeeze %dma_start3A_215 : memref<1x256x64xf32, #tpu.memory_space<hbm>> -> memref<256x64xf32, #tpu.memory_space<hbm>>
        tpu.enqueue_dma source(%arg11 : memref<256x64xf32, #tpu.memory_space<vmem>>) target(%dma_start3A_216 : memref<256x64xf32, #tpu.memory_space<hbm>>) target_semaphore(%arg23 : memref<!tpu.dma_semaphore, #tpu.memory_space<semaphore_mem>>)
      } else {
      }
      %add3A_86 = arith.constant 3 : i32
      %add3A_87 = arith.addi %mul3A_10, %add3A_86 : i32
      %ge3A_88 = arith.constant 6 : i32
      %ge3A_89 = arith.cmpi sge, %add3A_87, %ge3A_88 : i32
      %sub3A_90 = arith.constant 6 : i32
      %sub3A_91 = arith.subi %add3A_87, %sub3A_90 : i32
      %lt3A_92 = arith.constant 50 : i32
      %lt3A_93 = arith.cmpi slt, %sub3A_91, %lt3A_92 : i32
      %and3A_94 = arith.andi %ge3A_89, %lt3A_93 : i1
      %convert_element_type3A_95 = arith.extui %and3A_94 : i1 to i32
      %cond3A_96 = arith.constant 0 : i32
      %cond3A_97 = arith.cmpi ne, %convert_element_type3A_95, %cond3A_96 : i32
      scf.if %cond3A_97 {
        %sub3A_167 = arith.constant 6 : i32
        %sub3A_168 = arith.subi %add3A_87, %sub3A_167 : i32
        %add3A_169 = arith.addi %mul3A_2, %sub3A_168 : i32
        %jit3A = arith.constant 16 : i32
        %div3A = arith.divsi %add3A_169, %jit3A : i32
        %sign3A = arith.constant 0 : i32
        %sign3A_170 = arith.cmpi sgt, %add3A_169, %sign3A : i32
        %sign3A_171 = arith.extui %sign3A_170 : i1 to i32
        %sign3A_172 = arith.constant 0 : i32
        %sign3A_173 = arith.cmpi slt, %add3A_169, %sign3A_172 : i32
        %sign3A_174 = arith.extui %sign3A_173 : i1 to i32
        %sign3A_175 = arith.subi %sign3A_171, %sign3A_174 : i32
        %sign3A_176 = arith.constant 0 : i32
        %sign3A_177 = arith.cmpi sgt, %jit3A, %sign3A_176 : i32
        %sign3A_178 = arith.extui %sign3A_177 : i1 to i32
        %sign3A_179 = arith.constant 0 : i32
        %sign3A_180 = arith.cmpi slt, %jit3A, %sign3A_179 : i32
        %sign3A_181 = arith.extui %sign3A_180 : i1 to i32
        %sign3A_182 = arith.subi %sign3A_178, %sign3A_181 : i32
        %ne3A = arith.cmpi ne, %sign3A_175, %sign3A_182 : i32
        %rem3A = arith.remsi %add3A_169, %jit3A : i32
        %ne3A_183 = arith.constant 0 : i32
        %ne3A_184 = arith.cmpi ne, %rem3A, %ne3A_183 : i32
        %and3A_185 = arith.andi %ne3A, %ne3A_184 : i1
        %sub3A_186 = arith.constant 1 : i32
        %sub3A_187 = arith.subi %div3A, %sub3A_186 : i32
        %select_n3A = arith.select %and3A_185, %sub3A_187, %div3A : i32
        %jit3A_188 = arith.constant 16 : i32
        %eq3A = arith.constant 0 : i32
        %eq3A_189 = arith.cmpi eq, %jit3A_188, %eq3A : i32
        %jit3A_190 = arith.constant 1 : i32
        %select_n3A_191 = arith.select %eq3A_189, %jit3A_190, %jit3A_188 : i32
        %rem3A_192 = arith.remsi %add3A_169, %select_n3A_191 : i32
        %ne3A_193 = arith.constant 0 : i32
        %ne3A_194 = arith.cmpi ne, %rem3A_192, %ne3A_193 : i32
        %lt3A_195 = arith.constant 0 : i32
        %lt3A_196 = arith.cmpi slt, %rem3A_192, %lt3A_195 : i32
        %lt3A_197 = arith.constant 0 : i32
        %lt3A_198 = arith.cmpi slt, %select_n3A_191, %lt3A_197 : i32
        %ne3A_199 = arith.xori %lt3A_196, %lt3A_198 : i1
        %and3A_200 = arith.andi %ne3A_199, %ne3A_194 : i1
        %add3A_201 = arith.addi %rem3A_192, %select_n3A_191 : i32
        %select_n3A_202 = arith.select %and3A_200, %add3A_201, %rem3A_192 : i32
        %mul3A_203 = arith.constant 256 : i32
        %mul3A_204 = arith.muli %select_n3A_202, %mul3A_203 : i32
        %dma_wait3A = arith.constant 0 : i32
        %dma_wait3A_205 = tpu.memref_slice %arg4[%select_n3A, %mul3A_204, %dma_wait3A] : memref<100x4096x64xf32, #tpu.memory_space<hbm>> -> memref<1x256x64xf32, #tpu.memory_space<hbm>>
        %dma_wait3A_206 = tpu.memref_squeeze %dma_wait3A_205 : memref<1x256x64xf32, #tpu.memory_space<hbm>> -> memref<256x64xf32, #tpu.memory_space<hbm>>
        %dma_wait3A_207 = arith.constant 0 : i32
        %dma_wait3A_208 = tpu.memref_slice %arg4[%select_n3A, %mul3A_204, %dma_wait3A_207] : memref<100x4096x64xf32, #tpu.memory_space<hbm>> -> memref<1x256x64xf32, #tpu.memory_space<hbm>>
        %dma_wait3A_209 = tpu.memref_squeeze %dma_wait3A_208 : memref<1x256x64xf32, #tpu.memory_space<hbm>> -> memref<256x64xf32, #tpu.memory_space<hbm>>
        tpu.wait_dma2 semaphore(%arg21 : memref<!tpu.dma_semaphore, #tpu.memory_space<semaphore_mem>>) src(%arg9 : memref<256x64xf32, #tpu.memory_space<vmem>>) dst(%dma_wait3A_209 : memref<256x64xf32, #tpu.memory_space<hbm>>)
      } else {
      }
      %lt3A_98 = arith.constant 50 : i32
      %lt3A_99 = arith.cmpi slt, %add3A_87, %lt3A_98 : i32
      %convert_element_type3A_100 = arith.extui %lt3A_99 : i1 to i32
      %cond3A_101 = arith.constant 0 : i32
      %cond3A_102 = arith.cmpi ne, %convert_element_type3A_100, %cond3A_101 : i32
      scf.if %cond3A_102 {
        %dma_start3A = arith.constant 0 : i32
        %dma_start3A_167 = tpu.memref_slice %arg5[%add3A_87, %dma_start3A] : memref<50x256xi32, #tpu.memory_space<vmem>> -> memref<1x256xi32, #tpu.memory_space<vmem>>
        %dma_start3A_168 = tpu.memref_squeeze %dma_start3A_167 : memref<1x256xi32, #tpu.memory_space<vmem>> -> memref<256xi32, #tpu.memory_space<vmem>>
        %dma_start3A_169 = arith.constant 0 : i32
        %dma_start3A_170 = arith.constant 0 : i32
        %dma_start3A_171 = tpu.memref_slice %arg3[%dma_start3A_169, %dma_start3A_170] : memref<1000000x64xf32, #tpu.memory_space<hbm>> -> memref<1000000x64xf32, #tpu.memory_space<hbm>>
        tpu.enqueue_indirect_dma source(%dma_start3A_171 : memref<1000000x64xf32, #tpu.memory_space<hbm>>) target(%arg9 : memref<256x64xf32, #tpu.memory_space<vmem>>) offsets(%dma_start3A_168 : memref<256xi32, #tpu.memory_space<vmem>>) semaphore(%arg15 : memref<!tpu.dma_semaphore, #tpu.memory_space<semaphore_mem>>)
      } else {
      }
      %ge3A_103 = arith.constant 3 : i32
      %ge3A_104 = arith.cmpi sge, %add3A_87, %ge3A_103 : i32
      %sub3A_105 = arith.constant 3 : i32
      %sub3A_106 = arith.subi %add3A_87, %sub3A_105 : i32
      %lt3A_107 = arith.constant 50 : i32
      %lt3A_108 = arith.cmpi slt, %sub3A_106, %lt3A_107 : i32
      %and3A_109 = arith.andi %ge3A_104, %lt3A_108 : i1
      %convert_element_type3A_110 = arith.extui %and3A_109 : i1 to i32
      %cond3A_111 = arith.constant 0 : i32
      %cond3A_112 = arith.cmpi ne, %convert_element_type3A_110, %cond3A_111 : i32
      scf.if %cond3A_112 {
        %sub3A_167 = arith.constant 3 : i32
        %sub3A_168 = arith.subi %add3A_87, %sub3A_167 : i32
        %dma_wait3A = arith.constant 0 : i32
        %dma_wait3A_169 = tpu.memref_slice %arg5[%sub3A_168, %dma_wait3A] : memref<50x256xi32, #tpu.memory_space<vmem>> -> memref<1x256xi32, #tpu.memory_space<vmem>>
        %dma_wait3A_170 = tpu.memref_squeeze %dma_wait3A_169 : memref<1x256xi32, #tpu.memory_space<vmem>> -> memref<256xi32, #tpu.memory_space<vmem>>
        %dma_wait3A_171 = arith.constant 0 : i32
        %dma_wait3A_172 = arith.constant 0 : i32
        %dma_wait3A_173 = tpu.memref_slice %arg3[%dma_wait3A_171, %dma_wait3A_172] : memref<1000000x64xf32, #tpu.memory_space<hbm>> -> memref<1000000x64xf32, #tpu.memory_space<hbm>>
        tpu.wait_indirect_dma semaphore(%arg12 : memref<!tpu.dma_semaphore, #tpu.memory_space<semaphore_mem>>) src(%dma_wait3A_173 : memref<1000000x64xf32, #tpu.memory_space<hbm>>) dst(%arg6 : memref<256x64xf32, #tpu.memory_space<vmem>>)
        %sub3A_174 = arith.constant 3 : i32
        %sub3A_175 = arith.subi %add3A_87, %sub3A_174 : i32
        %add3A_176 = arith.addi %mul3A_2, %sub3A_175 : i32
        %jit3A = arith.constant 16 : i32
        %div3A = arith.divsi %add3A_176, %jit3A : i32
        %sign3A = arith.constant 0 : i32
        %sign3A_177 = arith.cmpi sgt, %add3A_176, %sign3A : i32
        %sign3A_178 = arith.extui %sign3A_177 : i1 to i32
        %sign3A_179 = arith.constant 0 : i32
        %sign3A_180 = arith.cmpi slt, %add3A_176, %sign3A_179 : i32
        %sign3A_181 = arith.extui %sign3A_180 : i1 to i32
        %sign3A_182 = arith.subi %sign3A_178, %sign3A_181 : i32
        %sign3A_183 = arith.constant 0 : i32
        %sign3A_184 = arith.cmpi sgt, %jit3A, %sign3A_183 : i32
        %sign3A_185 = arith.extui %sign3A_184 : i1 to i32
        %sign3A_186 = arith.constant 0 : i32
        %sign3A_187 = arith.cmpi slt, %jit3A, %sign3A_186 : i32
        %sign3A_188 = arith.extui %sign3A_187 : i1 to i32
        %sign3A_189 = arith.subi %sign3A_185, %sign3A_188 : i32
        %ne3A = arith.cmpi ne, %sign3A_182, %sign3A_189 : i32
        %rem3A = arith.remsi %add3A_176, %jit3A : i32
        %ne3A_190 = arith.constant 0 : i32
        %ne3A_191 = arith.cmpi ne, %rem3A, %ne3A_190 : i32
        %and3A_192 = arith.andi %ne3A, %ne3A_191 : i1
        %sub3A_193 = arith.constant 1 : i32
        %sub3A_194 = arith.subi %div3A, %sub3A_193 : i32
        %select_n3A = arith.select %and3A_192, %sub3A_194, %div3A : i32
        %jit3A_195 = arith.constant 16 : i32
        %eq3A = arith.constant 0 : i32
        %eq3A_196 = arith.cmpi eq, %jit3A_195, %eq3A : i32
        %jit3A_197 = arith.constant 1 : i32
        %select_n3A_198 = arith.select %eq3A_196, %jit3A_197, %jit3A_195 : i32
        %rem3A_199 = arith.remsi %add3A_176, %select_n3A_198 : i32
        %ne3A_200 = arith.constant 0 : i32
        %ne3A_201 = arith.cmpi ne, %rem3A_199, %ne3A_200 : i32
        %lt3A_202 = arith.constant 0 : i32
        %lt3A_203 = arith.cmpi slt, %rem3A_199, %lt3A_202 : i32
        %lt3A_204 = arith.constant 0 : i32
        %lt3A_205 = arith.cmpi slt, %select_n3A_198, %lt3A_204 : i32
        %ne3A_206 = arith.xori %lt3A_203, %lt3A_205 : i1
        %and3A_207 = arith.andi %ne3A_206, %ne3A_201 : i1
        %add3A_208 = arith.addi %rem3A_199, %select_n3A_198 : i32
        %select_n3A_209 = arith.select %and3A_207, %add3A_208, %rem3A_199 : i32
        %mul3A_210 = arith.constant 256 : i32
        %mul3A_211 = arith.muli %select_n3A_209, %mul3A_210 : i32
        %dma_start3A = arith.constant 0 : i32
        %dma_start3A_212 = tpu.memref_slice %arg4[%select_n3A, %mul3A_211, %dma_start3A] : memref<100x4096x64xf32, #tpu.memory_space<hbm>> -> memref<1x256x64xf32, #tpu.memory_space<hbm>>
        %dma_start3A_213 = tpu.memref_squeeze %dma_start3A_212 : memref<1x256x64xf32, #tpu.memory_space<hbm>> -> memref<256x64xf32, #tpu.memory_space<hbm>>
        %dma_start3A_214 = arith.constant 0 : i32
        %dma_start3A_215 = tpu.memref_slice %arg4[%select_n3A, %mul3A_211, %dma_start3A_214] : memref<100x4096x64xf32, #tpu.memory_space<hbm>> -> memref<1x256x64xf32, #tpu.memory_space<hbm>>
        %dma_start3A_216 = tpu.memref_squeeze %dma_start3A_215 : memref<1x256x64xf32, #tpu.memory_space<hbm>> -> memref<256x64xf32, #tpu.memory_space<hbm>>
        tpu.enqueue_dma source(%arg6 : memref<256x64xf32, #tpu.memory_space<vmem>>) target(%dma_start3A_216 : memref<256x64xf32, #tpu.memory_space<hbm>>) target_semaphore(%arg18 : memref<!tpu.dma_semaphore, #tpu.memory_space<semaphore_mem>>)
      } else {
      }
      %add3A_113 = arith.constant 4 : i32
      %add3A_114 = arith.addi %mul3A_10, %add3A_113 : i32
      %ge3A_115 = arith.constant 6 : i32
      %ge3A_116 = arith.cmpi sge, %add3A_114, %ge3A_115 : i32
      %sub3A_117 = arith.constant 6 : i32
      %sub3A_118 = arith.subi %add3A_114, %sub3A_117 : i32
      %lt3A_119 = arith.constant 50 : i32
      %lt3A_120 = arith.cmpi slt, %sub3A_118, %lt3A_119 : i32
      %and3A_121 = arith.andi %ge3A_116, %lt3A_120 : i1
      %convert_element_type3A_122 = arith.extui %and3A_121 : i1 to i32
      %cond3A_123 = arith.constant 0 : i32
      %cond3A_124 = arith.cmpi ne, %convert_element_type3A_122, %cond3A_123 : i32
      scf.if %cond3A_124 {
        %sub3A_167 = arith.constant 6 : i32
        %sub3A_168 = arith.subi %add3A_114, %sub3A_167 : i32
        %add3A_169 = arith.addi %mul3A_2, %sub3A_168 : i32
        %jit3A = arith.constant 16 : i32
        %div3A = arith.divsi %add3A_169, %jit3A : i32
        %sign3A = arith.constant 0 : i32
        %sign3A_170 = arith.cmpi sgt, %add3A_169, %sign3A : i32
        %sign3A_171 = arith.extui %sign3A_170 : i1 to i32
        %sign3A_172 = arith.constant 0 : i32
        %sign3A_173 = arith.cmpi slt, %add3A_169, %sign3A_172 : i32
        %sign3A_174 = arith.extui %sign3A_173 : i1 to i32
        %sign3A_175 = arith.subi %sign3A_171, %sign3A_174 : i32
        %sign3A_176 = arith.constant 0 : i32
        %sign3A_177 = arith.cmpi sgt, %jit3A, %sign3A_176 : i32
        %sign3A_178 = arith.extui %sign3A_177 : i1 to i32
        %sign3A_179 = arith.constant 0 : i32
        %sign3A_180 = arith.cmpi slt, %jit3A, %sign3A_179 : i32
        %sign3A_181 = arith.extui %sign3A_180 : i1 to i32
        %sign3A_182 = arith.subi %sign3A_178, %sign3A_181 : i32
        %ne3A = arith.cmpi ne, %sign3A_175, %sign3A_182 : i32
        %rem3A = arith.remsi %add3A_169, %jit3A : i32
        %ne3A_183 = arith.constant 0 : i32
        %ne3A_184 = arith.cmpi ne, %rem3A, %ne3A_183 : i32
        %and3A_185 = arith.andi %ne3A, %ne3A_184 : i1
        %sub3A_186 = arith.constant 1 : i32
        %sub3A_187 = arith.subi %div3A, %sub3A_186 : i32
        %select_n3A = arith.select %and3A_185, %sub3A_187, %div3A : i32
        %jit3A_188 = arith.constant 16 : i32
        %eq3A = arith.constant 0 : i32
        %eq3A_189 = arith.cmpi eq, %jit3A_188, %eq3A : i32
        %jit3A_190 = arith.constant 1 : i32
        %select_n3A_191 = arith.select %eq3A_189, %jit3A_190, %jit3A_188 : i32
        %rem3A_192 = arith.remsi %add3A_169, %select_n3A_191 : i32
        %ne3A_193 = arith.constant 0 : i32
        %ne3A_194 = arith.cmpi ne, %rem3A_192, %ne3A_193 : i32
        %lt3A_195 = arith.constant 0 : i32
        %lt3A_196 = arith.cmpi slt, %rem3A_192, %lt3A_195 : i32
        %lt3A_197 = arith.constant 0 : i32
        %lt3A_198 = arith.cmpi slt, %select_n3A_191, %lt3A_197 : i32
        %ne3A_199 = arith.xori %lt3A_196, %lt3A_198 : i1
        %and3A_200 = arith.andi %ne3A_199, %ne3A_194 : i1
        %add3A_201 = arith.addi %rem3A_192, %select_n3A_191 : i32
        %select_n3A_202 = arith.select %and3A_200, %add3A_201, %rem3A_192 : i32
        %mul3A_203 = arith.constant 256 : i32
        %mul3A_204 = arith.muli %select_n3A_202, %mul3A_203 : i32
        %dma_wait3A = arith.constant 0 : i32
        %dma_wait3A_205 = tpu.memref_slice %arg4[%select_n3A, %mul3A_204, %dma_wait3A] : memref<100x4096x64xf32, #tpu.memory_space<hbm>> -> memref<1x256x64xf32, #tpu.memory_space<hbm>>
        %dma_wait3A_206 = tpu.memref_squeeze %dma_wait3A_205 : memref<1x256x64xf32, #tpu.memory_space<hbm>> -> memref<256x64xf32, #tpu.memory_space<hbm>>
        %dma_wait3A_207 = arith.constant 0 : i32
        %dma_wait3A_208 = tpu.memref_slice %arg4[%select_n3A, %mul3A_204, %dma_wait3A_207] : memref<100x4096x64xf32, #tpu.memory_space<hbm>> -> memref<1x256x64xf32, #tpu.memory_space<hbm>>
        %dma_wait3A_209 = tpu.memref_squeeze %dma_wait3A_208 : memref<1x256x64xf32, #tpu.memory_space<hbm>> -> memref<256x64xf32, #tpu.memory_space<hbm>>
        tpu.wait_dma2 semaphore(%arg22 : memref<!tpu.dma_semaphore, #tpu.memory_space<semaphore_mem>>) src(%arg10 : memref<256x64xf32, #tpu.memory_space<vmem>>) dst(%dma_wait3A_209 : memref<256x64xf32, #tpu.memory_space<hbm>>)
      } else {
      }
      %lt3A_125 = arith.constant 50 : i32
      %lt3A_126 = arith.cmpi slt, %add3A_114, %lt3A_125 : i32
      %convert_element_type3A_127 = arith.extui %lt3A_126 : i1 to i32
      %cond3A_128 = arith.constant 0 : i32
      %cond3A_129 = arith.cmpi ne, %convert_element_type3A_127, %cond3A_128 : i32
      scf.if %cond3A_129 {
        %dma_start3A = arith.constant 0 : i32
        %dma_start3A_167 = tpu.memref_slice %arg5[%add3A_114, %dma_start3A] : memref<50x256xi32, #tpu.memory_space<vmem>> -> memref<1x256xi32, #tpu.memory_space<vmem>>
        %dma_start3A_168 = tpu.memref_squeeze %dma_start3A_167 : memref<1x256xi32, #tpu.memory_space<vmem>> -> memref<256xi32, #tpu.memory_space<vmem>>
        %dma_start3A_169 = arith.constant 0 : i32
        %dma_start3A_170 = arith.constant 0 : i32
        %dma_start3A_171 = tpu.memref_slice %arg3[%dma_start3A_169, %dma_start3A_170] : memref<1000000x64xf32, #tpu.memory_space<hbm>> -> memref<1000000x64xf32, #tpu.memory_space<hbm>>
        tpu.enqueue_indirect_dma source(%dma_start3A_171 : memref<1000000x64xf32, #tpu.memory_space<hbm>>) target(%arg10 : memref<256x64xf32, #tpu.memory_space<vmem>>) offsets(%dma_start3A_168 : memref<256xi32, #tpu.memory_space<vmem>>) semaphore(%arg16 : memref<!tpu.dma_semaphore, #tpu.memory_space<semaphore_mem>>)
      } else {
      }
      %ge3A_130 = arith.constant 3 : i32
      %ge3A_131 = arith.cmpi sge, %add3A_114, %ge3A_130 : i32
      %sub3A_132 = arith.constant 3 : i32
      %sub3A_133 = arith.subi %add3A_114, %sub3A_132 : i32
      %lt3A_134 = arith.constant 50 : i32
      %lt3A_135 = arith.cmpi slt, %sub3A_133, %lt3A_134 : i32
      %and3A_136 = arith.andi %ge3A_131, %lt3A_135 : i1
      %convert_element_type3A_137 = arith.extui %and3A_136 : i1 to i32
      %cond3A_138 = arith.constant 0 : i32
      %cond3A_139 = arith.cmpi ne, %convert_element_type3A_137, %cond3A_138 : i32
      scf.if %cond3A_139 {
        %sub3A_167 = arith.constant 3 : i32
        %sub3A_168 = arith.subi %add3A_114, %sub3A_167 : i32
        %dma_wait3A = arith.constant 0 : i32
        %dma_wait3A_169 = tpu.memref_slice %arg5[%sub3A_168, %dma_wait3A] : memref<50x256xi32, #tpu.memory_space<vmem>> -> memref<1x256xi32, #tpu.memory_space<vmem>>
        %dma_wait3A_170 = tpu.memref_squeeze %dma_wait3A_169 : memref<1x256xi32, #tpu.memory_space<vmem>> -> memref<256xi32, #tpu.memory_space<vmem>>
        %dma_wait3A_171 = arith.constant 0 : i32
        %dma_wait3A_172 = arith.constant 0 : i32
        %dma_wait3A_173 = tpu.memref_slice %arg3[%dma_wait3A_171, %dma_wait3A_172] : memref<1000000x64xf32, #tpu.memory_space<hbm>> -> memref<1000000x64xf32, #tpu.memory_space<hbm>>
        tpu.wait_indirect_dma semaphore(%arg13 : memref<!tpu.dma_semaphore, #tpu.memory_space<semaphore_mem>>) src(%dma_wait3A_173 : memref<1000000x64xf32, #tpu.memory_space<hbm>>) dst(%arg7 : memref<256x64xf32, #tpu.memory_space<vmem>>)
        %sub3A_174 = arith.constant 3 : i32
        %sub3A_175 = arith.subi %add3A_114, %sub3A_174 : i32
        %add3A_176 = arith.addi %mul3A_2, %sub3A_175 : i32
        %jit3A = arith.constant 16 : i32
        %div3A = arith.divsi %add3A_176, %jit3A : i32
        %sign3A = arith.constant 0 : i32
        %sign3A_177 = arith.cmpi sgt, %add3A_176, %sign3A : i32
        %sign3A_178 = arith.extui %sign3A_177 : i1 to i32
        %sign3A_179 = arith.constant 0 : i32
        %sign3A_180 = arith.cmpi slt, %add3A_176, %sign3A_179 : i32
        %sign3A_181 = arith.extui %sign3A_180 : i1 to i32
        %sign3A_182 = arith.subi %sign3A_178, %sign3A_181 : i32
        %sign3A_183 = arith.constant 0 : i32
        %sign3A_184 = arith.cmpi sgt, %jit3A, %sign3A_183 : i32
        %sign3A_185 = arith.extui %sign3A_184 : i1 to i32
        %sign3A_186 = arith.constant 0 : i32
        %sign3A_187 = arith.cmpi slt, %jit3A, %sign3A_186 : i32
        %sign3A_188 = arith.extui %sign3A_187 : i1 to i32
        %sign3A_189 = arith.subi %sign3A_185, %sign3A_188 : i32
        %ne3A = arith.cmpi ne, %sign3A_182, %sign3A_189 : i32
        %rem3A = arith.remsi %add3A_176, %jit3A : i32
        %ne3A_190 = arith.constant 0 : i32
        %ne3A_191 = arith.cmpi ne, %rem3A, %ne3A_190 : i32
        %and3A_192 = arith.andi %ne3A, %ne3A_191 : i1
        %sub3A_193 = arith.constant 1 : i32
        %sub3A_194 = arith.subi %div3A, %sub3A_193 : i32
        %select_n3A = arith.select %and3A_192, %sub3A_194, %div3A : i32
        %jit3A_195 = arith.constant 16 : i32
        %eq3A = arith.constant 0 : i32
        %eq3A_196 = arith.cmpi eq, %jit3A_195, %eq3A : i32
        %jit3A_197 = arith.constant 1 : i32
        %select_n3A_198 = arith.select %eq3A_196, %jit3A_197, %jit3A_195 : i32
        %rem3A_199 = arith.remsi %add3A_176, %select_n3A_198 : i32
        %ne3A_200 = arith.constant 0 : i32
        %ne3A_201 = arith.cmpi ne, %rem3A_199, %ne3A_200 : i32
        %lt3A_202 = arith.constant 0 : i32
        %lt3A_203 = arith.cmpi slt, %rem3A_199, %lt3A_202 : i32
        %lt3A_204 = arith.constant 0 : i32
        %lt3A_205 = arith.cmpi slt, %select_n3A_198, %lt3A_204 : i32
        %ne3A_206 = arith.xori %lt3A_203, %lt3A_205 : i1
        %and3A_207 = arith.andi %ne3A_206, %ne3A_201 : i1
        %add3A_208 = arith.addi %rem3A_199, %select_n3A_198 : i32
        %select_n3A_209 = arith.select %and3A_207, %add3A_208, %rem3A_199 : i32
        %mul3A_210 = arith.constant 256 : i32
        %mul3A_211 = arith.muli %select_n3A_209, %mul3A_210 : i32
        %dma_start3A = arith.constant 0 : i32
        %dma_start3A_212 = tpu.memref_slice %arg4[%select_n3A, %mul3A_211, %dma_start3A] : memref<100x4096x64xf32, #tpu.memory_space<hbm>> -> memref<1x256x64xf32, #tpu.memory_space<hbm>>
        %dma_start3A_213 = tpu.memref_squeeze %dma_start3A_212 : memref<1x256x64xf32, #tpu.memory_space<hbm>> -> memref<256x64xf32, #tpu.memory_space<hbm>>
        %dma_start3A_214 = arith.constant 0 : i32
        %dma_start3A_215 = tpu.memref_slice %arg4[%select_n3A, %mul3A_211, %dma_start3A_214] : memref<100x4096x64xf32, #tpu.memory_space<hbm>> -> memref<1x256x64xf32, #tpu.memory_space<hbm>>
        %dma_start3A_216 = tpu.memref_squeeze %dma_start3A_215 : memref<1x256x64xf32, #tpu.memory_space<hbm>> -> memref<256x64xf32, #tpu.memory_space<hbm>>
        tpu.enqueue_dma source(%arg7 : memref<256x64xf32, #tpu.memory_space<vmem>>) target(%dma_start3A_216 : memref<256x64xf32, #tpu.memory_space<hbm>>) target_semaphore(%arg19 : memref<!tpu.dma_semaphore, #tpu.memory_space<semaphore_mem>>)
      } else {
      }
      %add3A_140 = arith.constant 5 : i32
      %add3A_141 = arith.addi %mul3A_10, %add3A_140 : i32
      %ge3A_142 = arith.constant 6 : i32
      %ge3A_143 = arith.cmpi sge, %add3A_141, %ge3A_142 : i32
      %sub3A_144 = arith.constant 6 : i32
      %sub3A_145 = arith.subi %add3A_141, %sub3A_144 : i32
      %lt3A_146 = arith.constant 50 : i32
      %lt3A_147 = arith.cmpi slt, %sub3A_145, %lt3A_146 : i32
      %and3A_148 = arith.andi %ge3A_143, %lt3A_147 : i1
      %convert_element_type3A_149 = arith.extui %and3A_148 : i1 to i32
      %cond3A_150 = arith.constant 0 : i32
      %cond3A_151 = arith.cmpi ne, %convert_element_type3A_149, %cond3A_150 : i32
      scf.if %cond3A_151 {
        %sub3A_167 = arith.constant 6 : i32
        %sub3A_168 = arith.subi %add3A_141, %sub3A_167 : i32
        %add3A_169 = arith.addi %mul3A_2, %sub3A_168 : i32
        %jit3A = arith.constant 16 : i32
        %div3A = arith.divsi %add3A_169, %jit3A : i32
        %sign3A = arith.constant 0 : i32
        %sign3A_170 = arith.cmpi sgt, %add3A_169, %sign3A : i32
        %sign3A_171 = arith.extui %sign3A_170 : i1 to i32
        %sign3A_172 = arith.constant 0 : i32
        %sign3A_173 = arith.cmpi slt, %add3A_169, %sign3A_172 : i32
        %sign3A_174 = arith.extui %sign3A_173 : i1 to i32
        %sign3A_175 = arith.subi %sign3A_171, %sign3A_174 : i32
        %sign3A_176 = arith.constant 0 : i32
        %sign3A_177 = arith.cmpi sgt, %jit3A, %sign3A_176 : i32
        %sign3A_178 = arith.extui %sign3A_177 : i1 to i32
        %sign3A_179 = arith.constant 0 : i32
        %sign3A_180 = arith.cmpi slt, %jit3A, %sign3A_179 : i32
        %sign3A_181 = arith.extui %sign3A_180 : i1 to i32
        %sign3A_182 = arith.subi %sign3A_178, %sign3A_181 : i32
        %ne3A = arith.cmpi ne, %sign3A_175, %sign3A_182 : i32
        %rem3A = arith.remsi %add3A_169, %jit3A : i32
        %ne3A_183 = arith.constant 0 : i32
        %ne3A_184 = arith.cmpi ne, %rem3A, %ne3A_183 : i32
        %and3A_185 = arith.andi %ne3A, %ne3A_184 : i1
        %sub3A_186 = arith.constant 1 : i32
        %sub3A_187 = arith.subi %div3A, %sub3A_186 : i32
        %select_n3A = arith.select %and3A_185, %sub3A_187, %div3A : i32
        %jit3A_188 = arith.constant 16 : i32
        %eq3A = arith.constant 0 : i32
        %eq3A_189 = arith.cmpi eq, %jit3A_188, %eq3A : i32
        %jit3A_190 = arith.constant 1 : i32
        %select_n3A_191 = arith.select %eq3A_189, %jit3A_190, %jit3A_188 : i32
        %rem3A_192 = arith.remsi %add3A_169, %select_n3A_191 : i32
        %ne3A_193 = arith.constant 0 : i32
        %ne3A_194 = arith.cmpi ne, %rem3A_192, %ne3A_193 : i32
        %lt3A_195 = arith.constant 0 : i32
        %lt3A_196 = arith.cmpi slt, %rem3A_192, %lt3A_195 : i32
        %lt3A_197 = arith.constant 0 : i32
        %lt3A_198 = arith.cmpi slt, %select_n3A_191, %lt3A_197 : i32
        %ne3A_199 = arith.xori %lt3A_196, %lt3A_198 : i1
        %and3A_200 = arith.andi %ne3A_199, %ne3A_194 : i1
        %add3A_201 = arith.addi %rem3A_192, %select_n3A_191 : i32
        %select_n3A_202 = arith.select %and3A_200, %add3A_201, %rem3A_192 : i32
        %mul3A_203 = arith.constant 256 : i32
        %mul3A_204 = arith.muli %select_n3A_202, %mul3A_203 : i32
        %dma_wait3A = arith.constant 0 : i32
        %dma_wait3A_205 = tpu.memref_slice %arg4[%select_n3A, %mul3A_204, %dma_wait3A] : memref<100x4096x64xf32, #tpu.memory_space<hbm>> -> memref<1x256x64xf32, #tpu.memory_space<hbm>>
        %dma_wait3A_206 = tpu.memref_squeeze %dma_wait3A_205 : memref<1x256x64xf32, #tpu.memory_space<hbm>> -> memref<256x64xf32, #tpu.memory_space<hbm>>
        %dma_wait3A_207 = arith.constant 0 : i32
        %dma_wait3A_208 = tpu.memref_slice %arg4[%select_n3A, %mul3A_204, %dma_wait3A_207] : memref<100x4096x64xf32, #tpu.memory_space<hbm>> -> memref<1x256x64xf32, #tpu.memory_space<hbm>>
        %dma_wait3A_209 = tpu.memref_squeeze %dma_wait3A_208 : memref<1x256x64xf32, #tpu.memory_space<hbm>> -> memref<256x64xf32, #tpu.memory_space<hbm>>
        tpu.wait_dma2 semaphore(%arg23 : memref<!tpu.dma_semaphore, #tpu.memory_space<semaphore_mem>>) src(%arg11 : memref<256x64xf32, #tpu.memory_space<vmem>>) dst(%dma_wait3A_209 : memref<256x64xf32, #tpu.memory_space<hbm>>)
      } else {
      }
      %lt3A_152 = arith.constant 50 : i32
      %lt3A_153 = arith.cmpi slt, %add3A_141, %lt3A_152 : i32
      %convert_element_type3A_154 = arith.extui %lt3A_153 : i1 to i32
      %cond3A_155 = arith.constant 0 : i32
      %cond3A_156 = arith.cmpi ne, %convert_element_type3A_154, %cond3A_155 : i32
      scf.if %cond3A_156 {
        %dma_start3A = arith.constant 0 : i32
        %dma_start3A_167 = tpu.memref_slice %arg5[%add3A_141, %dma_start3A] : memref<50x256xi32, #tpu.memory_space<vmem>> -> memref<1x256xi32, #tpu.memory_space<vmem>>
        %dma_start3A_168 = tpu.memref_squeeze %dma_start3A_167 : memref<1x256xi32, #tpu.memory_space<vmem>> -> memref<256xi32, #tpu.memory_space<vmem>>
        %dma_start3A_169 = arith.constant 0 : i32
        %dma_start3A_170 = arith.constant 0 : i32
        %dma_start3A_171 = tpu.memref_slice %arg3[%dma_start3A_169, %dma_start3A_170] : memref<1000000x64xf32, #tpu.memory_space<hbm>> -> memref<1000000x64xf32, #tpu.memory_space<hbm>>
        tpu.enqueue_indirect_dma source(%dma_start3A_171 : memref<1000000x64xf32, #tpu.memory_space<hbm>>) target(%arg11 : memref<256x64xf32, #tpu.memory_space<vmem>>) offsets(%dma_start3A_168 : memref<256xi32, #tpu.memory_space<vmem>>) semaphore(%arg17 : memref<!tpu.dma_semaphore, #tpu.memory_space<semaphore_mem>>)
      } else {
      }
      %ge3A_157 = arith.constant 3 : i32
      %ge3A_158 = arith.cmpi sge, %add3A_141, %ge3A_157 : i32
      %sub3A_159 = arith.constant 3 : i32
      %sub3A_160 = arith.subi %add3A_141, %sub3A_159 : i32
      %lt3A_161 = arith.constant 50 : i32
      %lt3A_162 = arith.cmpi slt, %sub3A_160, %lt3A_161 : i32
      %and3A_163 = arith.andi %ge3A_158, %lt3A_162 : i1
      %convert_element_type3A_164 = arith.extui %and3A_163 : i1 to i32
      %cond3A_165 = arith.constant 0 : i32
      %cond3A_166 = arith.cmpi ne, %convert_element_type3A_164, %cond3A_165 : i32
      scf.if %cond3A_166 {
        %sub3A_167 = arith.constant 3 : i32
        %sub3A_168 = arith.subi %add3A_141, %sub3A_167 : i32
        %dma_wait3A = arith.constant 0 : i32
        %dma_wait3A_169 = tpu.memref_slice %arg5[%sub3A_168, %dma_wait3A] : memref<50x256xi32, #tpu.memory_space<vmem>> -> memref<1x256xi32, #tpu.memory_space<vmem>>
        %dma_wait3A_170 = tpu.memref_squeeze %dma_wait3A_169 : memref<1x256xi32, #tpu.memory_space<vmem>> -> memref<256xi32, #tpu.memory_space<vmem>>
        %dma_wait3A_171 = arith.constant 0 : i32
        %dma_wait3A_172 = arith.constant 0 : i32
        %dma_wait3A_173 = tpu.memref_slice %arg3[%dma_wait3A_171, %dma_wait3A_172] : memref<1000000x64xf32, #tpu.memory_space<hbm>> -> memref<1000000x64xf32, #tpu.memory_space<hbm>>
        tpu.wait_indirect_dma semaphore(%arg14 : memref<!tpu.dma_semaphore, #tpu.memory_space<semaphore_mem>>) src(%dma_wait3A_173 : memref<1000000x64xf32, #tpu.memory_space<hbm>>) dst(%arg8 : memref<256x64xf32, #tpu.memory_space<vmem>>)
        %sub3A_174 = arith.constant 3 : i32
        %sub3A_175 = arith.subi %add3A_141, %sub3A_174 : i32
        %add3A_176 = arith.addi %mul3A_2, %sub3A_175 : i32
        %jit3A = arith.constant 16 : i32
        %div3A = arith.divsi %add3A_176, %jit3A : i32
        %sign3A = arith.constant 0 : i32
        %sign3A_177 = arith.cmpi sgt, %add3A_176, %sign3A : i32
        %sign3A_178 = arith.extui %sign3A_177 : i1 to i32
        %sign3A_179 = arith.constant 0 : i32
        %sign3A_180 = arith.cmpi slt, %add3A_176, %sign3A_179 : i32
        %sign3A_181 = arith.extui %sign3A_180 : i1 to i32
        %sign3A_182 = arith.subi %sign3A_178, %sign3A_181 : i32
        %sign3A_183 = arith.constant 0 : i32
        %sign3A_184 = arith.cmpi sgt, %jit3A, %sign3A_183 : i32
        %sign3A_185 = arith.extui %sign3A_184 : i1 to i32
        %sign3A_186 = arith.constant 0 : i32
        %sign3A_187 = arith.cmpi slt, %jit3A, %sign3A_186 : i32
        %sign3A_188 = arith.extui %sign3A_187 : i1 to i32
        %sign3A_189 = arith.subi %sign3A_185, %sign3A_188 : i32
        %ne3A = arith.cmpi ne, %sign3A_182, %sign3A_189 : i32
        %rem3A = arith.remsi %add3A_176, %jit3A : i32
        %ne3A_190 = arith.constant 0 : i32
        %ne3A_191 = arith.cmpi ne, %rem3A, %ne3A_190 : i32
        %and3A_192 = arith.andi %ne3A, %ne3A_191 : i1
        %sub3A_193 = arith.constant 1 : i32
        %sub3A_194 = arith.subi %div3A, %sub3A_193 : i32
        %select_n3A = arith.select %and3A_192, %sub3A_194, %div3A : i32
        %jit3A_195 = arith.constant 16 : i32
        %eq3A = arith.constant 0 : i32
        %eq3A_196 = arith.cmpi eq, %jit3A_195, %eq3A : i32
        %jit3A_197 = arith.constant 1 : i32
        %select_n3A_198 = arith.select %eq3A_196, %jit3A_197, %jit3A_195 : i32
        %rem3A_199 = arith.remsi %add3A_176, %select_n3A_198 : i32
        %ne3A_200 = arith.constant 0 : i32
        %ne3A_201 = arith.cmpi ne, %rem3A_199, %ne3A_200 : i32
        %lt3A_202 = arith.constant 0 : i32
        %lt3A_203 = arith.cmpi slt, %rem3A_199, %lt3A_202 : i32
        %lt3A_204 = arith.constant 0 : i32
        %lt3A_205 = arith.cmpi slt, %select_n3A_198, %lt3A_204 : i32
        %ne3A_206 = arith.xori %lt3A_203, %lt3A_205 : i1
        %and3A_207 = arith.andi %ne3A_206, %ne3A_201 : i1
        %add3A_208 = arith.addi %rem3A_199, %select_n3A_198 : i32
        %select_n3A_209 = arith.select %and3A_207, %add3A_208, %rem3A_199 : i32
        %mul3A_210 = arith.constant 256 : i32
        %mul3A_211 = arith.muli %select_n3A_209, %mul3A_210 : i32
        %dma_start3A = arith.constant 0 : i32
        %dma_start3A_212 = tpu.memref_slice %arg4[%select_n3A, %mul3A_211, %dma_start3A] : memref<100x4096x64xf32, #tpu.memory_space<hbm>> -> memref<1x256x64xf32, #tpu.memory_space<hbm>>
        %dma_start3A_213 = tpu.memref_squeeze %dma_start3A_212 : memref<1x256x64xf32, #tpu.memory_space<hbm>> -> memref<256x64xf32, #tpu.memory_space<hbm>>
        %dma_start3A_214 = arith.constant 0 : i32
        %dma_start3A_215 = tpu.memref_slice %arg4[%select_n3A, %mul3A_211, %dma_start3A_214] : memref<100x4096x64xf32, #tpu.memory_space<hbm>> -> memref<1x256x64xf32, #tpu.memory_space<hbm>>
        %dma_start3A_216 = tpu.memref_squeeze %dma_start3A_215 : memref<1x256x64xf32, #tpu.memory_space<hbm>> -> memref<256x64xf32, #tpu.memory_space<hbm>>
        tpu.enqueue_dma source(%arg8 : memref<256x64xf32, #tpu.memory_space<vmem>>) target(%dma_start3A_216 : memref<256x64xf32, #tpu.memory_space<hbm>>) target_semaphore(%arg20 : memref<!tpu.dma_semaphore, #tpu.memory_space<semaphore_mem>>)
      } else {
      }
    }
    %scan3A_7 = arith.constant 10 : i32
    return
  }
}

#map = affine_map<(d0, d1) -> (0, 0, 0)>
#map1 = affine_map<(d0, d1) -> (0, 0)>
module attributes {stable_mosaic.version = 14 : i64} {
  func.func @_gather_rows(%arg0: i32, %arg1: i32, %arg2: memref<32x50x256xi32, #tpu.memory_space<hbm>>, %arg3: memref<1000000x64xf32, #tpu.memory_space<hbm>>, %arg4: memref<100x4096x64xf32, #tpu.memory_space<hbm>>, %arg5: memref<50x256xi32, #tpu.memory_space<vmem>>, %arg6: memref<256x64xf32, #tpu.memory_space<vmem>>, %arg7: memref<256x64xf32, #tpu.memory_space<vmem>>, %arg8: memref<256x64xf32, #tpu.memory_space<vmem>>, %arg9: memref<256x64xf32, #tpu.memory_space<vmem>>, %arg10: memref<256x64xf32, #tpu.memory_space<vmem>>, %arg11: memref<256x64xf32, #tpu.memory_space<vmem>>, %arg12: memref<!tpu.dma_semaphore, #tpu.memory_space<semaphore_mem>>, %arg13: memref<!tpu.dma_semaphore, #tpu.memory_space<semaphore_mem>>, %arg14: memref<!tpu.dma_semaphore, #tpu.memory_space<semaphore_mem>>, %arg15: memref<!tpu.dma_semaphore, #tpu.memory_space<semaphore_mem>>, %arg16: memref<!tpu.dma_semaphore, #tpu.memory_space<semaphore_mem>>, %arg17: memref<!tpu.dma_semaphore, #tpu.memory_space<semaphore_mem>>, %arg18: memref<!tpu.dma_semaphore, #tpu.memory_space<semaphore_mem>>, %arg19: memref<!tpu.dma_semaphore, #tpu.memory_space<semaphore_mem>>, %arg20: memref<!tpu.dma_semaphore, #tpu.memory_space<semaphore_mem>>, %arg21: memref<!tpu.dma_semaphore, #tpu.memory_space<semaphore_mem>>, %arg22: memref<!tpu.dma_semaphore, #tpu.memory_space<semaphore_mem>>, %arg23: memref<!tpu.dma_semaphore, #tpu.memory_space<semaphore_mem>>) attributes {dimension_semantics = [#tpu.dimension_semantics<core_parallel>, #tpu.dimension_semantics<subcore_parallel>], iteration_bounds = array<i64: 2, 16>, scalar_prefetch = 0 : i64, scratch_operands = 19 : i64, tpu.core_type = #tpu.core_type<sc_vector_subcore>, window_params = [{transform_indices = #map}, {transform_indices = #map1}, {transform_indices = #map}]} {
    %mul3A = arith.constant 2 : i32
    %mul3A_0 = arith.muli %arg1, %mul3A : i32
    %add3A = arith.addi %mul3A_0, %arg0 : i32
    %mul3A_1 = arith.constant 50 : i32
    %mul3A_2 = arith.muli %add3A, %mul3A_1 : i32
    "tpu.region"() ({
      %run_scoped3A = tpu.sem_alloc : memref<!tpu.dma_semaphore, #tpu.memory_space<semaphore_mem>>
      %dma_start3A = arith.constant 0 : i32
      %dma_start3A_8 = arith.constant 0 : i32
      %dma_start3A_9 = tpu.memref_slice %arg2[%add3A, %dma_start3A, %dma_start3A_8] : memref<32x50x256xi32, #tpu.memory_space<hbm>> -> memref<1x50x256xi32, #tpu.memory_space<hbm>>
      %dma_start3A_10 = tpu.memref_squeeze %dma_start3A_9 : memref<1x50x256xi32, #tpu.memory_space<hbm>> -> memref<50x256xi32, #tpu.memory_space<hbm>>
      %dma_start3A_11 = arith.constant 0 : i32
      %dma_start3A_12 = arith.constant 0 : i32
      %dma_start3A_13 = tpu.memref_slice %arg2[%add3A, %dma_start3A_11, %dma_start3A_12] : memref<32x50x256xi32, #tpu.memory_space<hbm>> -> memref<1x50x256xi32, #tpu.memory_space<hbm>>
      %dma_start3A_14 = tpu.memref_squeeze %dma_start3A_13 : memref<1x50x256xi32, #tpu.memory_space<hbm>> -> memref<50x256xi32, #tpu.memory_space<hbm>>
      tpu.enqueue_dma source(%dma_start3A_14 : memref<50x256xi32, #tpu.memory_space<hbm>>) target(%arg5 : memref<50x256xi32, #tpu.memory_space<vmem>>) target_semaphore(%run_scoped3A : memref<!tpu.dma_semaphore, #tpu.memory_space<semaphore_mem>>)
      %dma_wait3A = arith.constant 0 : i32
      %dma_wait3A_15 = arith.constant 0 : i32
      %dma_wait3A_16 = tpu.memref_slice %arg2[%add3A, %dma_wait3A, %dma_wait3A_15] : memref<32x50x256xi32, #tpu.memory_space<hbm>> -> memref<1x50x256xi32, #tpu.memory_space<hbm>>
      %dma_wait3A_17 = tpu.memref_squeeze %dma_wait3A_16 : memref<1x50x256xi32, #tpu.memory_space<hbm>> -> memref<50x256xi32, #tpu.memory_space<hbm>>
      %dma_wait3A_18 = arith.constant 0 : i32
      %dma_wait3A_19 = arith.constant 0 : i32
      %dma_wait3A_20 = tpu.memref_slice %arg2[%add3A, %dma_wait3A_18, %dma_wait3A_19] : memref<32x50x256xi32, #tpu.memory_space<hbm>> -> memref<1x50x256xi32, #tpu.memory_space<hbm>>
      %dma_wait3A_21 = tpu.memref_squeeze %dma_wait3A_20 : memref<1x50x256xi32, #tpu.memory_space<hbm>> -> memref<50x256xi32, #tpu.memory_space<hbm>>
      tpu.wait_dma2 semaphore(%run_scoped3A : memref<!tpu.dma_semaphore, #tpu.memory_space<semaphore_mem>>) src(%dma_wait3A_21 : memref<50x256xi32, #tpu.memory_space<hbm>>) dst(%arg5 : memref<50x256xi32, #tpu.memory_space<vmem>>)
      tpu.yield
    }) : () -> ()
    %scan3A = arith.constant 0 : i32
    %scan3A_3 = arith.constant 0 : i32
    %scan3A_4 = arith.constant 10 : i32
    %scan3A_5 = arith.addi %scan3A_3, %scan3A_4 : i32
    %scan3A_6 = arith.constant 1 : i32
    scf.for %scan3A_8 = %scan3A_3 to %scan3A_5 step %scan3A_6  : i32 {
      %mul3A_9 = arith.constant 6 : i32
      %mul3A_10 = arith.muli %scan3A_8, %mul3A_9 : i32
      %add3A_11 = arith.constant 0 : i32
      %add3A_12 = arith.addi %mul3A_10, %add3A_11 : i32
      %ge3A = arith.constant 6 : i32
      %ge3A_13 = arith.cmpi sge, %add3A_12, %ge3A : i32
      %sub3A = arith.constant 6 : i32
      %sub3A_14 = arith.subi %add3A_12, %sub3A : i32
      %lt3A = arith.constant 50 : i32
      %lt3A_15 = arith.cmpi slt, %sub3A_14, %lt3A : i32
      %and3A = arith.andi %ge3A_13, %lt3A_15 : i1
      %convert_element_type3A = arith.extui %and3A : i1 to i32
      %cond3A = arith.constant 0 : i32
      %cond3A_16 = arith.cmpi ne, %convert_element_type3A, %cond3A : i32
      scf.if %cond3A_16 {
        %sub3A_167 = arith.constant 6 : i32
        %sub3A_168 = arith.subi %add3A_12, %sub3A_167 : i32
        %add3A_169 = arith.addi %mul3A_2, %sub3A_168 : i32
        %jit3A = arith.constant 16 : i32
        %div3A = arith.divsi %add3A_169, %jit3A : i32
        %sign3A = arith.constant 0 : i32
        %sign3A_170 = arith.cmpi sgt, %add3A_169, %sign3A : i32
        %sign3A_171 = arith.extui %sign3A_170 : i1 to i32
        %sign3A_172 = arith.constant 0 : i32
        %sign3A_173 = arith.cmpi slt, %add3A_169, %sign3A_172 : i32
        %sign3A_174 = arith.extui %sign3A_173 : i1 to i32
        %sign3A_175 = arith.subi %sign3A_171, %sign3A_174 : i32
        %sign3A_176 = arith.constant 0 : i32
        %sign3A_177 = arith.cmpi sgt, %jit3A, %sign3A_176 : i32
        %sign3A_178 = arith.extui %sign3A_177 : i1 to i32
        %sign3A_179 = arith.constant 0 : i32
        %sign3A_180 = arith.cmpi slt, %jit3A, %sign3A_179 : i32
        %sign3A_181 = arith.extui %sign3A_180 : i1 to i32
        %sign3A_182 = arith.subi %sign3A_178, %sign3A_181 : i32
        %ne3A = arith.cmpi ne, %sign3A_175, %sign3A_182 : i32
        %rem3A = arith.remsi %add3A_169, %jit3A : i32
        %ne3A_183 = arith.constant 0 : i32
        %ne3A_184 = arith.cmpi ne, %rem3A, %ne3A_183 : i32
        %and3A_185 = arith.andi %ne3A, %ne3A_184 : i1
        %sub3A_186 = arith.constant 1 : i32
        %sub3A_187 = arith.subi %div3A, %sub3A_186 : i32
        %select_n3A = arith.select %and3A_185, %sub3A_187, %div3A : i32
        %jit3A_188 = arith.constant 16 : i32
        %eq3A = arith.constant 0 : i32
        %eq3A_189 = arith.cmpi eq, %jit3A_188, %eq3A : i32
        %jit3A_190 = arith.constant 1 : i32
        %select_n3A_191 = arith.select %eq3A_189, %jit3A_190, %jit3A_188 : i32
        %rem3A_192 = arith.remsi %add3A_169, %select_n3A_191 : i32
        %ne3A_193 = arith.constant 0 : i32
        %ne3A_194 = arith.cmpi ne, %rem3A_192, %ne3A_193 : i32
        %lt3A_195 = arith.constant 0 : i32
        %lt3A_196 = arith.cmpi slt, %rem3A_192, %lt3A_195 : i32
        %lt3A_197 = arith.constant 0 : i32
        %lt3A_198 = arith.cmpi slt, %select_n3A_191, %lt3A_197 : i32
        %ne3A_199 = arith.xori %lt3A_196, %lt3A_198 : i1
        %and3A_200 = arith.andi %ne3A_199, %ne3A_194 : i1
        %add3A_201 = arith.addi %rem3A_192, %select_n3A_191 : i32
        %select_n3A_202 = arith.select %and3A_200, %add3A_201, %rem3A_192 : i32
        %mul3A_203 = arith.constant 256 : i32
        %mul3A_204 = arith.muli %select_n3A_202, %mul3A_203 : i32
        %dma_wait3A = arith.constant 0 : i32
        %dma_wait3A_205 = tpu.memref_slice %arg4[%select_n3A, %mul3A_204, %dma_wait3A] : memref<100x4096x64xf32, #tpu.memory_space<hbm>> -> memref<1x256x64xf32, #tpu.memory_space<hbm>>
        %dma_wait3A_206 = tpu.memref_squeeze %dma_wait3A_205 : memref<1x256x64xf32, #tpu.memory_space<hbm>> -> memref<256x64xf32, #tpu.memory_space<hbm>>
        %dma_wait3A_207 = arith.constant 0 : i32
        %dma_wait3A_208 = tpu.memref_slice %arg4[%select_n3A, %mul3A_204, %dma_wait3A_207] : memref<100x4096x64xf32, #tpu.memory_space<hbm>> -> memref<1x256x64xf32, #tpu.memory_space<hbm>>
        %dma_wait3A_209 = tpu.memref_squeeze %dma_wait3A_208 : memref<1x256x64xf32, #tpu.memory_space<hbm>> -> memref<256x64xf32, #tpu.memory_space<hbm>>
        tpu.wait_dma2 semaphore(%arg18 : memref<!tpu.dma_semaphore, #tpu.memory_space<semaphore_mem>>) src(%arg6 : memref<256x64xf32, #tpu.memory_space<vmem>>) dst(%dma_wait3A_209 : memref<256x64xf32, #tpu.memory_space<hbm>>)
      } else {
      }
      %lt3A_17 = arith.constant 50 : i32
      %lt3A_18 = arith.cmpi slt, %add3A_12, %lt3A_17 : i32
      %convert_element_type3A_19 = arith.extui %lt3A_18 : i1 to i32
      %cond3A_20 = arith.constant 0 : i32
      %cond3A_21 = arith.cmpi ne, %convert_element_type3A_19, %cond3A_20 : i32
      scf.if %cond3A_21 {
        %dma_start3A = arith.constant 0 : i32
        %dma_start3A_167 = tpu.memref_slice %arg5[%add3A_12, %dma_start3A] : memref<50x256xi32, #tpu.memory_space<vmem>> -> memref<1x256xi32, #tpu.memory_space<vmem>>
        %dma_start3A_168 = tpu.memref_squeeze %dma_start3A_167 : memref<1x256xi32, #tpu.memory_space<vmem>> -> memref<256xi32, #tpu.memory_space<vmem>>
        %dma_start3A_169 = arith.constant 0 : i32
        %dma_start3A_170 = arith.constant 0 : i32
        %dma_start3A_171 = tpu.memref_slice %arg3[%dma_start3A_169, %dma_start3A_170] : memref<1000000x64xf32, #tpu.memory_space<hbm>> -> memref<1000000x64xf32, #tpu.memory_space<hbm>>
        tpu.enqueue_indirect_dma source(%dma_start3A_171 : memref<1000000x64xf32, #tpu.memory_space<hbm>>) target(%arg6 : memref<256x64xf32, #tpu.memory_space<vmem>>) offsets(%dma_start3A_168 : memref<256xi32, #tpu.memory_space<vmem>>) semaphore(%arg12 : memref<!tpu.dma_semaphore, #tpu.memory_space<semaphore_mem>>)
      } else {
      }
      %ge3A_22 = arith.constant 3 : i32
      %ge3A_23 = arith.cmpi sge, %add3A_12, %ge3A_22 : i32
      %sub3A_24 = arith.constant 3 : i32
      %sub3A_25 = arith.subi %add3A_12, %sub3A_24 : i32
      %lt3A_26 = arith.constant 50 : i32
      %lt3A_27 = arith.cmpi slt, %sub3A_25, %lt3A_26 : i32
      %and3A_28 = arith.andi %ge3A_23, %lt3A_27 : i1
      %convert_element_type3A_29 = arith.extui %and3A_28 : i1 to i32
      %cond3A_30 = arith.constant 0 : i32
      %cond3A_31 = arith.cmpi ne, %convert_element_type3A_29, %cond3A_30 : i32
      scf.if %cond3A_31 {
        %sub3A_167 = arith.constant 3 : i32
        %sub3A_168 = arith.subi %add3A_12, %sub3A_167 : i32
        %dma_wait3A = arith.constant 0 : i32
        %dma_wait3A_169 = tpu.memref_slice %arg5[%sub3A_168, %dma_wait3A] : memref<50x256xi32, #tpu.memory_space<vmem>> -> memref<1x256xi32, #tpu.memory_space<vmem>>
        %dma_wait3A_170 = tpu.memref_squeeze %dma_wait3A_169 : memref<1x256xi32, #tpu.memory_space<vmem>> -> memref<256xi32, #tpu.memory_space<vmem>>
        %dma_wait3A_171 = arith.constant 0 : i32
        %dma_wait3A_172 = arith.constant 0 : i32
        %dma_wait3A_173 = tpu.memref_slice %arg3[%dma_wait3A_171, %dma_wait3A_172] : memref<1000000x64xf32, #tpu.memory_space<hbm>> -> memref<1000000x64xf32, #tpu.memory_space<hbm>>
        tpu.wait_indirect_dma semaphore(%arg15 : memref<!tpu.dma_semaphore, #tpu.memory_space<semaphore_mem>>) src(%dma_wait3A_173 : memref<1000000x64xf32, #tpu.memory_space<hbm>>) dst(%arg9 : memref<256x64xf32, #tpu.memory_space<vmem>>)
        %sub3A_174 = arith.constant 3 : i32
        %sub3A_175 = arith.subi %add3A_12, %sub3A_174 : i32
        %add3A_176 = arith.addi %mul3A_2, %sub3A_175 : i32
        %jit3A = arith.constant 16 : i32
        %div3A = arith.divsi %add3A_176, %jit3A : i32
        %sign3A = arith.constant 0 : i32
        %sign3A_177 = arith.cmpi sgt, %add3A_176, %sign3A : i32
        %sign3A_178 = arith.extui %sign3A_177 : i1 to i32
        %sign3A_179 = arith.constant 0 : i32
        %sign3A_180 = arith.cmpi slt, %add3A_176, %sign3A_179 : i32
        %sign3A_181 = arith.extui %sign3A_180 : i1 to i32
        %sign3A_182 = arith.subi %sign3A_178, %sign3A_181 : i32
        %sign3A_183 = arith.constant 0 : i32
        %sign3A_184 = arith.cmpi sgt, %jit3A, %sign3A_183 : i32
        %sign3A_185 = arith.extui %sign3A_184 : i1 to i32
        %sign3A_186 = arith.constant 0 : i32
        %sign3A_187 = arith.cmpi slt, %jit3A, %sign3A_186 : i32
        %sign3A_188 = arith.extui %sign3A_187 : i1 to i32
        %sign3A_189 = arith.subi %sign3A_185, %sign3A_188 : i32
        %ne3A = arith.cmpi ne, %sign3A_182, %sign3A_189 : i32
        %rem3A = arith.remsi %add3A_176, %jit3A : i32
        %ne3A_190 = arith.constant 0 : i32
        %ne3A_191 = arith.cmpi ne, %rem3A, %ne3A_190 : i32
        %and3A_192 = arith.andi %ne3A, %ne3A_191 : i1
        %sub3A_193 = arith.constant 1 : i32
        %sub3A_194 = arith.subi %div3A, %sub3A_193 : i32
        %select_n3A = arith.select %and3A_192, %sub3A_194, %div3A : i32
        %jit3A_195 = arith.constant 16 : i32
        %eq3A = arith.constant 0 : i32
        %eq3A_196 = arith.cmpi eq, %jit3A_195, %eq3A : i32
        %jit3A_197 = arith.constant 1 : i32
        %select_n3A_198 = arith.select %eq3A_196, %jit3A_197, %jit3A_195 : i32
        %rem3A_199 = arith.remsi %add3A_176, %select_n3A_198 : i32
        %ne3A_200 = arith.constant 0 : i32
        %ne3A_201 = arith.cmpi ne, %rem3A_199, %ne3A_200 : i32
        %lt3A_202 = arith.constant 0 : i32
        %lt3A_203 = arith.cmpi slt, %rem3A_199, %lt3A_202 : i32
        %lt3A_204 = arith.constant 0 : i32
        %lt3A_205 = arith.cmpi slt, %select_n3A_198, %lt3A_204 : i32
        %ne3A_206 = arith.xori %lt3A_203, %lt3A_205 : i1
        %and3A_207 = arith.andi %ne3A_206, %ne3A_201 : i1
        %add3A_208 = arith.addi %rem3A_199, %select_n3A_198 : i32
        %select_n3A_209 = arith.select %and3A_207, %add3A_208, %rem3A_199 : i32
        %mul3A_210 = arith.constant 256 : i32
        %mul3A_211 = arith.muli %select_n3A_209, %mul3A_210 : i32
        %dma_start3A = arith.constant 0 : i32
        %dma_start3A_212 = tpu.memref_slice %arg4[%select_n3A, %mul3A_211, %dma_start3A] : memref<100x4096x64xf32, #tpu.memory_space<hbm>> -> memref<1x256x64xf32, #tpu.memory_space<hbm>>
        %dma_start3A_213 = tpu.memref_squeeze %dma_start3A_212 : memref<1x256x64xf32, #tpu.memory_space<hbm>> -> memref<256x64xf32, #tpu.memory_space<hbm>>
        %dma_start3A_214 = arith.constant 0 : i32
        %dma_start3A_215 = tpu.memref_slice %arg4[%select_n3A, %mul3A_211, %dma_start3A_214] : memref<100x4096x64xf32, #tpu.memory_space<hbm>> -> memref<1x256x64xf32, #tpu.memory_space<hbm>>
        %dma_start3A_216 = tpu.memref_squeeze %dma_start3A_215 : memref<1x256x64xf32, #tpu.memory_space<hbm>> -> memref<256x64xf32, #tpu.memory_space<hbm>>
        tpu.enqueue_dma source(%arg9 : memref<256x64xf32, #tpu.memory_space<vmem>>) target(%dma_start3A_216 : memref<256x64xf32, #tpu.memory_space<hbm>>) target_semaphore(%arg21 : memref<!tpu.dma_semaphore, #tpu.memory_space<semaphore_mem>>)
      } else {
      }
      %add3A_32 = arith.constant 1 : i32
      %add3A_33 = arith.addi %mul3A_10, %add3A_32 : i32
      %ge3A_34 = arith.constant 6 : i32
      %ge3A_35 = arith.cmpi sge, %add3A_33, %ge3A_34 : i32
      %sub3A_36 = arith.constant 6 : i32
      %sub3A_37 = arith.subi %add3A_33, %sub3A_36 : i32
      %lt3A_38 = arith.constant 50 : i32
      %lt3A_39 = arith.cmpi slt, %sub3A_37, %lt3A_38 : i32
      %and3A_40 = arith.andi %ge3A_35, %lt3A_39 : i1
      %convert_element_type3A_41 = arith.extui %and3A_40 : i1 to i32
      %cond3A_42 = arith.constant 0 : i32
      %cond3A_43 = arith.cmpi ne, %convert_element_type3A_41, %cond3A_42 : i32
      scf.if %cond3A_43 {
        %sub3A_167 = arith.constant 6 : i32
        %sub3A_168 = arith.subi %add3A_33, %sub3A_167 : i32
        %add3A_169 = arith.addi %mul3A_2, %sub3A_168 : i32
        %jit3A = arith.constant 16 : i32
        %div3A = arith.divsi %add3A_169, %jit3A : i32
        %sign3A = arith.constant 0 : i32
        %sign3A_170 = arith.cmpi sgt, %add3A_169, %sign3A : i32
        %sign3A_171 = arith.extui %sign3A_170 : i1 to i32
        %sign3A_172 = arith.constant 0 : i32
        %sign3A_173 = arith.cmpi slt, %add3A_169, %sign3A_172 : i32
        %sign3A_174 = arith.extui %sign3A_173 : i1 to i32
        %sign3A_175 = arith.subi %sign3A_171, %sign3A_174 : i32
        %sign3A_176 = arith.constant 0 : i32
        %sign3A_177 = arith.cmpi sgt, %jit3A, %sign3A_176 : i32
        %sign3A_178 = arith.extui %sign3A_177 : i1 to i32
        %sign3A_179 = arith.constant 0 : i32
        %sign3A_180 = arith.cmpi slt, %jit3A, %sign3A_179 : i32
        %sign3A_181 = arith.extui %sign3A_180 : i1 to i32
        %sign3A_182 = arith.subi %sign3A_178, %sign3A_181 : i32
        %ne3A = arith.cmpi ne, %sign3A_175, %sign3A_182 : i32
        %rem3A = arith.remsi %add3A_169, %jit3A : i32
        %ne3A_183 = arith.constant 0 : i32
        %ne3A_184 = arith.cmpi ne, %rem3A, %ne3A_183 : i32
        %and3A_185 = arith.andi %ne3A, %ne3A_184 : i1
        %sub3A_186 = arith.constant 1 : i32
        %sub3A_187 = arith.subi %div3A, %sub3A_186 : i32
        %select_n3A = arith.select %and3A_185, %sub3A_187, %div3A : i32
        %jit3A_188 = arith.constant 16 : i32
        %eq3A = arith.constant 0 : i32
        %eq3A_189 = arith.cmpi eq, %jit3A_188, %eq3A : i32
        %jit3A_190 = arith.constant 1 : i32
        %select_n3A_191 = arith.select %eq3A_189, %jit3A_190, %jit3A_188 : i32
        %rem3A_192 = arith.remsi %add3A_169, %select_n3A_191 : i32
        %ne3A_193 = arith.constant 0 : i32
        %ne3A_194 = arith.cmpi ne, %rem3A_192, %ne3A_193 : i32
        %lt3A_195 = arith.constant 0 : i32
        %lt3A_196 = arith.cmpi slt, %rem3A_192, %lt3A_195 : i32
        %lt3A_197 = arith.constant 0 : i32
        %lt3A_198 = arith.cmpi slt, %select_n3A_191, %lt3A_197 : i32
        %ne3A_199 = arith.xori %lt3A_196, %lt3A_198 : i1
        %and3A_200 = arith.andi %ne3A_199, %ne3A_194 : i1
        %add3A_201 = arith.addi %rem3A_192, %select_n3A_191 : i32
        %select_n3A_202 = arith.select %and3A_200, %add3A_201, %rem3A_192 : i32
        %mul3A_203 = arith.constant 256 : i32
        %mul3A_204 = arith.muli %select_n3A_202, %mul3A_203 : i32
        %dma_wait3A = arith.constant 0 : i32
        %dma_wait3A_205 = tpu.memref_slice %arg4[%select_n3A, %mul3A_204, %dma_wait3A] : memref<100x4096x64xf32, #tpu.memory_space<hbm>> -> memref<1x256x64xf32, #tpu.memory_space<hbm>>
        %dma_wait3A_206 = tpu.memref_squeeze %dma_wait3A_205 : memref<1x256x64xf32, #tpu.memory_space<hbm>> -> memref<256x64xf32, #tpu.memory_space<hbm>>
        %dma_wait3A_207 = arith.constant 0 : i32
        %dma_wait3A_208 = tpu.memref_slice %arg4[%select_n3A, %mul3A_204, %dma_wait3A_207] : memref<100x4096x64xf32, #tpu.memory_space<hbm>> -> memref<1x256x64xf32, #tpu.memory_space<hbm>>
        %dma_wait3A_209 = tpu.memref_squeeze %dma_wait3A_208 : memref<1x256x64xf32, #tpu.memory_space<hbm>> -> memref<256x64xf32, #tpu.memory_space<hbm>>
        tpu.wait_dma2 semaphore(%arg19 : memref<!tpu.dma_semaphore, #tpu.memory_space<semaphore_mem>>) src(%arg7 : memref<256x64xf32, #tpu.memory_space<vmem>>) dst(%dma_wait3A_209 : memref<256x64xf32, #tpu.memory_space<hbm>>)
      } else {
      }
      %lt3A_44 = arith.constant 50 : i32
      %lt3A_45 = arith.cmpi slt, %add3A_33, %lt3A_44 : i32
      %convert_element_type3A_46 = arith.extui %lt3A_45 : i1 to i32
      %cond3A_47 = arith.constant 0 : i32
      %cond3A_48 = arith.cmpi ne, %convert_element_type3A_46, %cond3A_47 : i32
      scf.if %cond3A_48 {
        %dma_start3A = arith.constant 0 : i32
        %dma_start3A_167 = tpu.memref_slice %arg5[%add3A_33, %dma_start3A] : memref<50x256xi32, #tpu.memory_space<vmem>> -> memref<1x256xi32, #tpu.memory_space<vmem>>
        %dma_start3A_168 = tpu.memref_squeeze %dma_start3A_167 : memref<1x256xi32, #tpu.memory_space<vmem>> -> memref<256xi32, #tpu.memory_space<vmem>>
        %dma_start3A_169 = arith.constant 0 : i32
        %dma_start3A_170 = arith.constant 0 : i32
        %dma_start3A_171 = tpu.memref_slice %arg3[%dma_start3A_169, %dma_start3A_170] : memref<1000000x64xf32, #tpu.memory_space<hbm>> -> memref<1000000x64xf32, #tpu.memory_space<hbm>>
        tpu.enqueue_indirect_dma source(%dma_start3A_171 : memref<1000000x64xf32, #tpu.memory_space<hbm>>) target(%arg7 : memref<256x64xf32, #tpu.memory_space<vmem>>) offsets(%dma_start3A_168 : memref<256xi32, #tpu.memory_space<vmem>>) semaphore(%arg13 : memref<!tpu.dma_semaphore, #tpu.memory_space<semaphore_mem>>)
      } else {
      }
      %ge3A_49 = arith.constant 3 : i32
      %ge3A_50 = arith.cmpi sge, %add3A_33, %ge3A_49 : i32
      %sub3A_51 = arith.constant 3 : i32
      %sub3A_52 = arith.subi %add3A_33, %sub3A_51 : i32
      %lt3A_53 = arith.constant 50 : i32
      %lt3A_54 = arith.cmpi slt, %sub3A_52, %lt3A_53 : i32
      %and3A_55 = arith.andi %ge3A_50, %lt3A_54 : i1
      %convert_element_type3A_56 = arith.extui %and3A_55 : i1 to i32
      %cond3A_57 = arith.constant 0 : i32
      %cond3A_58 = arith.cmpi ne, %convert_element_type3A_56, %cond3A_57 : i32
      scf.if %cond3A_58 {
        %sub3A_167 = arith.constant 3 : i32
        %sub3A_168 = arith.subi %add3A_33, %sub3A_167 : i32
        %dma_wait3A = arith.constant 0 : i32
        %dma_wait3A_169 = tpu.memref_slice %arg5[%sub3A_168, %dma_wait3A] : memref<50x256xi32, #tpu.memory_space<vmem>> -> memref<1x256xi32, #tpu.memory_space<vmem>>
        %dma_wait3A_170 = tpu.memref_squeeze %dma_wait3A_169 : memref<1x256xi32, #tpu.memory_space<vmem>> -> memref<256xi32, #tpu.memory_space<vmem>>
        %dma_wait3A_171 = arith.constant 0 : i32
        %dma_wait3A_172 = arith.constant 0 : i32
        %dma_wait3A_173 = tpu.memref_slice %arg3[%dma_wait3A_171, %dma_wait3A_172] : memref<1000000x64xf32, #tpu.memory_space<hbm>> -> memref<1000000x64xf32, #tpu.memory_space<hbm>>
        tpu.wait_indirect_dma semaphore(%arg16 : memref<!tpu.dma_semaphore, #tpu.memory_space<semaphore_mem>>) src(%dma_wait3A_173 : memref<1000000x64xf32, #tpu.memory_space<hbm>>) dst(%arg10 : memref<256x64xf32, #tpu.memory_space<vmem>>)
        %sub3A_174 = arith.constant 3 : i32
        %sub3A_175 = arith.subi %add3A_33, %sub3A_174 : i32
        %add3A_176 = arith.addi %mul3A_2, %sub3A_175 : i32
        %jit3A = arith.constant 16 : i32
        %div3A = arith.divsi %add3A_176, %jit3A : i32
        %sign3A = arith.constant 0 : i32
        %sign3A_177 = arith.cmpi sgt, %add3A_176, %sign3A : i32
        %sign3A_178 = arith.extui %sign3A_177 : i1 to i32
        %sign3A_179 = arith.constant 0 : i32
        %sign3A_180 = arith.cmpi slt, %add3A_176, %sign3A_179 : i32
        %sign3A_181 = arith.extui %sign3A_180 : i1 to i32
        %sign3A_182 = arith.subi %sign3A_178, %sign3A_181 : i32
        %sign3A_183 = arith.constant 0 : i32
        %sign3A_184 = arith.cmpi sgt, %jit3A, %sign3A_183 : i32
        %sign3A_185 = arith.extui %sign3A_184 : i1 to i32
        %sign3A_186 = arith.constant 0 : i32
        %sign3A_187 = arith.cmpi slt, %jit3A, %sign3A_186 : i32
        %sign3A_188 = arith.extui %sign3A_187 : i1 to i32
        %sign3A_189 = arith.subi %sign3A_185, %sign3A_188 : i32
        %ne3A = arith.cmpi ne, %sign3A_182, %sign3A_189 : i32
        %rem3A = arith.remsi %add3A_176, %jit3A : i32
        %ne3A_190 = arith.constant 0 : i32
        %ne3A_191 = arith.cmpi ne, %rem3A, %ne3A_190 : i32
        %and3A_192 = arith.andi %ne3A, %ne3A_191 : i1
        %sub3A_193 = arith.constant 1 : i32
        %sub3A_194 = arith.subi %div3A, %sub3A_193 : i32
        %select_n3A = arith.select %and3A_192, %sub3A_194, %div3A : i32
        %jit3A_195 = arith.constant 16 : i32
        %eq3A = arith.constant 0 : i32
        %eq3A_196 = arith.cmpi eq, %jit3A_195, %eq3A : i32
        %jit3A_197 = arith.constant 1 : i32
        %select_n3A_198 = arith.select %eq3A_196, %jit3A_197, %jit3A_195 : i32
        %rem3A_199 = arith.remsi %add3A_176, %select_n3A_198 : i32
        %ne3A_200 = arith.constant 0 : i32
        %ne3A_201 = arith.cmpi ne, %rem3A_199, %ne3A_200 : i32
        %lt3A_202 = arith.constant 0 : i32
        %lt3A_203 = arith.cmpi slt, %rem3A_199, %lt3A_202 : i32
        %lt3A_204 = arith.constant 0 : i32
        %lt3A_205 = arith.cmpi slt, %select_n3A_198, %lt3A_204 : i32
        %ne3A_206 = arith.xori %lt3A_203, %lt3A_205 : i1
        %and3A_207 = arith.andi %ne3A_206, %ne3A_201 : i1
        %add3A_208 = arith.addi %rem3A_199, %select_n3A_198 : i32
        %select_n3A_209 = arith.select %and3A_207, %add3A_208, %rem3A_199 : i32
        %mul3A_210 = arith.constant 256 : i32
        %mul3A_211 = arith.muli %select_n3A_209, %mul3A_210 : i32
        %dma_start3A = arith.constant 0 : i32
        %dma_start3A_212 = tpu.memref_slice %arg4[%select_n3A, %mul3A_211, %dma_start3A] : memref<100x4096x64xf32, #tpu.memory_space<hbm>> -> memref<1x256x64xf32, #tpu.memory_space<hbm>>
        %dma_start3A_213 = tpu.memref_squeeze %dma_start3A_212 : memref<1x256x64xf32, #tpu.memory_space<hbm>> -> memref<256x64xf32, #tpu.memory_space<hbm>>
        %dma_start3A_214 = arith.constant 0 : i32
        %dma_start3A_215 = tpu.memref_slice %arg4[%select_n3A, %mul3A_211, %dma_start3A_214] : memref<100x4096x64xf32, #tpu.memory_space<hbm>> -> memref<1x256x64xf32, #tpu.memory_space<hbm>>
        %dma_start3A_216 = tpu.memref_squeeze %dma_start3A_215 : memref<1x256x64xf32, #tpu.memory_space<hbm>> -> memref<256x64xf32, #tpu.memory_space<hbm>>
        tpu.enqueue_dma source(%arg10 : memref<256x64xf32, #tpu.memory_space<vmem>>) target(%dma_start3A_216 : memref<256x64xf32, #tpu.memory_space<hbm>>) target_semaphore(%arg22 : memref<!tpu.dma_semaphore, #tpu.memory_space<semaphore_mem>>)
      } else {
      }
      %add3A_59 = arith.constant 2 : i32
      %add3A_60 = arith.addi %mul3A_10, %add3A_59 : i32
      %ge3A_61 = arith.constant 6 : i32
      %ge3A_62 = arith.cmpi sge, %add3A_60, %ge3A_61 : i32
      %sub3A_63 = arith.constant 6 : i32
      %sub3A_64 = arith.subi %add3A_60, %sub3A_63 : i32
      %lt3A_65 = arith.constant 50 : i32
      %lt3A_66 = arith.cmpi slt, %sub3A_64, %lt3A_65 : i32
      %and3A_67 = arith.andi %ge3A_62, %lt3A_66 : i1
      %convert_element_type3A_68 = arith.extui %and3A_67 : i1 to i32
      %cond3A_69 = arith.constant 0 : i32
      %cond3A_70 = arith.cmpi ne, %convert_element_type3A_68, %cond3A_69 : i32
      scf.if %cond3A_70 {
        %sub3A_167 = arith.constant 6 : i32
        %sub3A_168 = arith.subi %add3A_60, %sub3A_167 : i32
        %add3A_169 = arith.addi %mul3A_2, %sub3A_168 : i32
        %jit3A = arith.constant 16 : i32
        %div3A = arith.divsi %add3A_169, %jit3A : i32
        %sign3A = arith.constant 0 : i32
        %sign3A_170 = arith.cmpi sgt, %add3A_169, %sign3A : i32
        %sign3A_171 = arith.extui %sign3A_170 : i1 to i32
        %sign3A_172 = arith.constant 0 : i32
        %sign3A_173 = arith.cmpi slt, %add3A_169, %sign3A_172 : i32
        %sign3A_174 = arith.extui %sign3A_173 : i1 to i32
        %sign3A_175 = arith.subi %sign3A_171, %sign3A_174 : i32
        %sign3A_176 = arith.constant 0 : i32
        %sign3A_177 = arith.cmpi sgt, %jit3A, %sign3A_176 : i32
        %sign3A_178 = arith.extui %sign3A_177 : i1 to i32
        %sign3A_179 = arith.constant 0 : i32
        %sign3A_180 = arith.cmpi slt, %jit3A, %sign3A_179 : i32
        %sign3A_181 = arith.extui %sign3A_180 : i1 to i32
        %sign3A_182 = arith.subi %sign3A_178, %sign3A_181 : i32
        %ne3A = arith.cmpi ne, %sign3A_175, %sign3A_182 : i32
        %rem3A = arith.remsi %add3A_169, %jit3A : i32
        %ne3A_183 = arith.constant 0 : i32
        %ne3A_184 = arith.cmpi ne, %rem3A, %ne3A_183 : i32
        %and3A_185 = arith.andi %ne3A, %ne3A_184 : i1
        %sub3A_186 = arith.constant 1 : i32
        %sub3A_187 = arith.subi %div3A, %sub3A_186 : i32
        %select_n3A = arith.select %and3A_185, %sub3A_187, %div3A : i32
        %jit3A_188 = arith.constant 16 : i32
        %eq3A = arith.constant 0 : i32
        %eq3A_189 = arith.cmpi eq, %jit3A_188, %eq3A : i32
        %jit3A_190 = arith.constant 1 : i32
        %select_n3A_191 = arith.select %eq3A_189, %jit3A_190, %jit3A_188 : i32
        %rem3A_192 = arith.remsi %add3A_169, %select_n3A_191 : i32
        %ne3A_193 = arith.constant 0 : i32
        %ne3A_194 = arith.cmpi ne, %rem3A_192, %ne3A_193 : i32
        %lt3A_195 = arith.constant 0 : i32
        %lt3A_196 = arith.cmpi slt, %rem3A_192, %lt3A_195 : i32
        %lt3A_197 = arith.constant 0 : i32
        %lt3A_198 = arith.cmpi slt, %select_n3A_191, %lt3A_197 : i32
        %ne3A_199 = arith.xori %lt3A_196, %lt3A_198 : i1
        %and3A_200 = arith.andi %ne3A_199, %ne3A_194 : i1
        %add3A_201 = arith.addi %rem3A_192, %select_n3A_191 : i32
        %select_n3A_202 = arith.select %and3A_200, %add3A_201, %rem3A_192 : i32
        %mul3A_203 = arith.constant 256 : i32
        %mul3A_204 = arith.muli %select_n3A_202, %mul3A_203 : i32
        %dma_wait3A = arith.constant 0 : i32
        %dma_wait3A_205 = tpu.memref_slice %arg4[%select_n3A, %mul3A_204, %dma_wait3A] : memref<100x4096x64xf32, #tpu.memory_space<hbm>> -> memref<1x256x64xf32, #tpu.memory_space<hbm>>
        %dma_wait3A_206 = tpu.memref_squeeze %dma_wait3A_205 : memref<1x256x64xf32, #tpu.memory_space<hbm>> -> memref<256x64xf32, #tpu.memory_space<hbm>>
        %dma_wait3A_207 = arith.constant 0 : i32
        %dma_wait3A_208 = tpu.memref_slice %arg4[%select_n3A, %mul3A_204, %dma_wait3A_207] : memref<100x4096x64xf32, #tpu.memory_space<hbm>> -> memref<1x256x64xf32, #tpu.memory_space<hbm>>
        %dma_wait3A_209 = tpu.memref_squeeze %dma_wait3A_208 : memref<1x256x64xf32, #tpu.memory_space<hbm>> -> memref<256x64xf32, #tpu.memory_space<hbm>>
        tpu.wait_dma2 semaphore(%arg20 : memref<!tpu.dma_semaphore, #tpu.memory_space<semaphore_mem>>) src(%arg8 : memref<256x64xf32, #tpu.memory_space<vmem>>) dst(%dma_wait3A_209 : memref<256x64xf32, #tpu.memory_space<hbm>>)
      } else {
      }
      %lt3A_71 = arith.constant 50 : i32
      %lt3A_72 = arith.cmpi slt, %add3A_60, %lt3A_71 : i32
      %convert_element_type3A_73 = arith.extui %lt3A_72 : i1 to i32
      %cond3A_74 = arith.constant 0 : i32
      %cond3A_75 = arith.cmpi ne, %convert_element_type3A_73, %cond3A_74 : i32
      scf.if %cond3A_75 {
        %dma_start3A = arith.constant 0 : i32
        %dma_start3A_167 = tpu.memref_slice %arg5[%add3A_60, %dma_start3A] : memref<50x256xi32, #tpu.memory_space<vmem>> -> memref<1x256xi32, #tpu.memory_space<vmem>>
        %dma_start3A_168 = tpu.memref_squeeze %dma_start3A_167 : memref<1x256xi32, #tpu.memory_space<vmem>> -> memref<256xi32, #tpu.memory_space<vmem>>
        %dma_start3A_169 = arith.constant 0 : i32
        %dma_start3A_170 = arith.constant 0 : i32
        %dma_start3A_171 = tpu.memref_slice %arg3[%dma_start3A_169, %dma_start3A_170] : memref<1000000x64xf32, #tpu.memory_space<hbm>> -> memref<1000000x64xf32, #tpu.memory_space<hbm>>
        tpu.enqueue_indirect_dma source(%dma_start3A_171 : memref<1000000x64xf32, #tpu.memory_space<hbm>>) target(%arg8 : memref<256x64xf32, #tpu.memory_space<vmem>>) offsets(%dma_start3A_168 : memref<256xi32, #tpu.memory_space<vmem>>) semaphore(%arg14 : memref<!tpu.dma_semaphore, #tpu.memory_space<semaphore_mem>>)
      } else {
      }
      %ge3A_76 = arith.constant 3 : i32
      %ge3A_77 = arith.cmpi sge, %add3A_60, %ge3A_76 : i32
      %sub3A_78 = arith.constant 3 : i32
      %sub3A_79 = arith.subi %add3A_60, %sub3A_78 : i32
      %lt3A_80 = arith.constant 50 : i32
      %lt3A_81 = arith.cmpi slt, %sub3A_79, %lt3A_80 : i32
      %and3A_82 = arith.andi %ge3A_77, %lt3A_81 : i1
      %convert_element_type3A_83 = arith.extui %and3A_82 : i1 to i32
      %cond3A_84 = arith.constant 0 : i32
      %cond3A_85 = arith.cmpi ne, %convert_element_type3A_83, %cond3A_84 : i32
      scf.if %cond3A_85 {
        %sub3A_167 = arith.constant 3 : i32
        %sub3A_168 = arith.subi %add3A_60, %sub3A_167 : i32
        %dma_wait3A = arith.constant 0 : i32
        %dma_wait3A_169 = tpu.memref_slice %arg5[%sub3A_168, %dma_wait3A] : memref<50x256xi32, #tpu.memory_space<vmem>> -> memref<1x256xi32, #tpu.memory_space<vmem>>
        %dma_wait3A_170 = tpu.memref_squeeze %dma_wait3A_169 : memref<1x256xi32, #tpu.memory_space<vmem>> -> memref<256xi32, #tpu.memory_space<vmem>>
        %dma_wait3A_171 = arith.constant 0 : i32
        %dma_wait3A_172 = arith.constant 0 : i32
        %dma_wait3A_173 = tpu.memref_slice %arg3[%dma_wait3A_171, %dma_wait3A_172] : memref<1000000x64xf32, #tpu.memory_space<hbm>> -> memref<1000000x64xf32, #tpu.memory_space<hbm>>
        tpu.wait_indirect_dma semaphore(%arg17 : memref<!tpu.dma_semaphore, #tpu.memory_space<semaphore_mem>>) src(%dma_wait3A_173 : memref<1000000x64xf32, #tpu.memory_space<hbm>>) dst(%arg11 : memref<256x64xf32, #tpu.memory_space<vmem>>)
        %sub3A_174 = arith.constant 3 : i32
        %sub3A_175 = arith.subi %add3A_60, %sub3A_174 : i32
        %add3A_176 = arith.addi %mul3A_2, %sub3A_175 : i32
        %jit3A = arith.constant 16 : i32
        %div3A = arith.divsi %add3A_176, %jit3A : i32
        %sign3A = arith.constant 0 : i32
        %sign3A_177 = arith.cmpi sgt, %add3A_176, %sign3A : i32
        %sign3A_178 = arith.extui %sign3A_177 : i1 to i32
        %sign3A_179 = arith.constant 0 : i32
        %sign3A_180 = arith.cmpi slt, %add3A_176, %sign3A_179 : i32
        %sign3A_181 = arith.extui %sign3A_180 : i1 to i32
        %sign3A_182 = arith.subi %sign3A_178, %sign3A_181 : i32
        %sign3A_183 = arith.constant 0 : i32
        %sign3A_184 = arith.cmpi sgt, %jit3A, %sign3A_183 : i32
        %sign3A_185 = arith.extui %sign3A_184 : i1 to i32
        %sign3A_186 = arith.constant 0 : i32
        %sign3A_187 = arith.cmpi slt, %jit3A, %sign3A_186 : i32
        %sign3A_188 = arith.extui %sign3A_187 : i1 to i32
        %sign3A_189 = arith.subi %sign3A_185, %sign3A_188 : i32
        %ne3A = arith.cmpi ne, %sign3A_182, %sign3A_189 : i32
        %rem3A = arith.remsi %add3A_176, %jit3A : i32
        %ne3A_190 = arith.constant 0 : i32
        %ne3A_191 = arith.cmpi ne, %rem3A, %ne3A_190 : i32
        %and3A_192 = arith.andi %ne3A, %ne3A_191 : i1
        %sub3A_193 = arith.constant 1 : i32
        %sub3A_194 = arith.subi %div3A, %sub3A_193 : i32
        %select_n3A = arith.select %and3A_192, %sub3A_194, %div3A : i32
        %jit3A_195 = arith.constant 16 : i32
        %eq3A = arith.constant 0 : i32
        %eq3A_196 = arith.cmpi eq, %jit3A_195, %eq3A : i32
        %jit3A_197 = arith.constant 1 : i32
        %select_n3A_198 = arith.select %eq3A_196, %jit3A_197, %jit3A_195 : i32
        %rem3A_199 = arith.remsi %add3A_176, %select_n3A_198 : i32
        %ne3A_200 = arith.constant 0 : i32
        %ne3A_201 = arith.cmpi ne, %rem3A_199, %ne3A_200 : i32
        %lt3A_202 = arith.constant 0 : i32
        %lt3A_203 = arith.cmpi slt, %rem3A_199, %lt3A_202 : i32
        %lt3A_204 = arith.constant 0 : i32
        %lt3A_205 = arith.cmpi slt, %select_n3A_198, %lt3A_204 : i32
        %ne3A_206 = arith.xori %lt3A_203, %lt3A_205 : i1
        %and3A_207 = arith.andi %ne3A_206, %ne3A_201 : i1
        %add3A_208 = arith.addi %rem3A_199, %select_n3A_198 : i32
        %select_n3A_209 = arith.select %and3A_207, %add3A_208, %rem3A_199 : i32
        %mul3A_210 = arith.constant 256 : i32
        %mul3A_211 = arith.muli %select_n3A_209, %mul3A_210 : i32
        %dma_start3A = arith.constant 0 : i32
        %dma_start3A_212 = tpu.memref_slice %arg4[%select_n3A, %mul3A_211, %dma_start3A] : memref<100x4096x64xf32, #tpu.memory_space<hbm>> -> memref<1x256x64xf32, #tpu.memory_space<hbm>>
        %dma_start3A_213 = tpu.memref_squeeze %dma_start3A_212 : memref<1x256x64xf32, #tpu.memory_space<hbm>> -> memref<256x64xf32, #tpu.memory_space<hbm>>
        %dma_start3A_214 = arith.constant 0 : i32
        %dma_start3A_215 = tpu.memref_slice %arg4[%select_n3A, %mul3A_211, %dma_start3A_214] : memref<100x4096x64xf32, #tpu.memory_space<hbm>> -> memref<1x256x64xf32, #tpu.memory_space<hbm>>
        %dma_start3A_216 = tpu.memref_squeeze %dma_start3A_215 : memref<1x256x64xf32, #tpu.memory_space<hbm>> -> memref<256x64xf32, #tpu.memory_space<hbm>>
        tpu.enqueue_dma source(%arg11 : memref<256x64xf32, #tpu.memory_space<vmem>>) target(%dma_start3A_216 : memref<256x64xf32, #tpu.memory_space<hbm>>) target_semaphore(%arg23 : memref<!tpu.dma_semaphore, #tpu.memory_space<semaphore_mem>>)
      } else {
      }
      %add3A_86 = arith.constant 3 : i32
      %add3A_87 = arith.addi %mul3A_10, %add3A_86 : i32
      %ge3A_88 = arith.constant 6 : i32
      %ge3A_89 = arith.cmpi sge, %add3A_87, %ge3A_88 : i32
      %sub3A_90 = arith.constant 6 : i32
      %sub3A_91 = arith.subi %add3A_87, %sub3A_90 : i32
      %lt3A_92 = arith.constant 50 : i32
      %lt3A_93 = arith.cmpi slt, %sub3A_91, %lt3A_92 : i32
      %and3A_94 = arith.andi %ge3A_89, %lt3A_93 : i1
      %convert_element_type3A_95 = arith.extui %and3A_94 : i1 to i32
      %cond3A_96 = arith.constant 0 : i32
      %cond3A_97 = arith.cmpi ne, %convert_element_type3A_95, %cond3A_96 : i32
      scf.if %cond3A_97 {
        %sub3A_167 = arith.constant 6 : i32
        %sub3A_168 = arith.subi %add3A_87, %sub3A_167 : i32
        %add3A_169 = arith.addi %mul3A_2, %sub3A_168 : i32
        %jit3A = arith.constant 16 : i32
        %div3A = arith.divsi %add3A_169, %jit3A : i32
        %sign3A = arith.constant 0 : i32
        %sign3A_170 = arith.cmpi sgt, %add3A_169, %sign3A : i32
        %sign3A_171 = arith.extui %sign3A_170 : i1 to i32
        %sign3A_172 = arith.constant 0 : i32
        %sign3A_173 = arith.cmpi slt, %add3A_169, %sign3A_172 : i32
        %sign3A_174 = arith.extui %sign3A_173 : i1 to i32
        %sign3A_175 = arith.subi %sign3A_171, %sign3A_174 : i32
        %sign3A_176 = arith.constant 0 : i32
        %sign3A_177 = arith.cmpi sgt, %jit3A, %sign3A_176 : i32
        %sign3A_178 = arith.extui %sign3A_177 : i1 to i32
        %sign3A_179 = arith.constant 0 : i32
        %sign3A_180 = arith.cmpi slt, %jit3A, %sign3A_179 : i32
        %sign3A_181 = arith.extui %sign3A_180 : i1 to i32
        %sign3A_182 = arith.subi %sign3A_178, %sign3A_181 : i32
        %ne3A = arith.cmpi ne, %sign3A_175, %sign3A_182 : i32
        %rem3A = arith.remsi %add3A_169, %jit3A : i32
        %ne3A_183 = arith.constant 0 : i32
        %ne3A_184 = arith.cmpi ne, %rem3A, %ne3A_183 : i32
        %and3A_185 = arith.andi %ne3A, %ne3A_184 : i1
        %sub3A_186 = arith.constant 1 : i32
        %sub3A_187 = arith.subi %div3A, %sub3A_186 : i32
        %select_n3A = arith.select %and3A_185, %sub3A_187, %div3A : i32
        %jit3A_188 = arith.constant 16 : i32
        %eq3A = arith.constant 0 : i32
        %eq3A_189 = arith.cmpi eq, %jit3A_188, %eq3A : i32
        %jit3A_190 = arith.constant 1 : i32
        %select_n3A_191 = arith.select %eq3A_189, %jit3A_190, %jit3A_188 : i32
        %rem3A_192 = arith.remsi %add3A_169, %select_n3A_191 : i32
        %ne3A_193 = arith.constant 0 : i32
        %ne3A_194 = arith.cmpi ne, %rem3A_192, %ne3A_193 : i32
        %lt3A_195 = arith.constant 0 : i32
        %lt3A_196 = arith.cmpi slt, %rem3A_192, %lt3A_195 : i32
        %lt3A_197 = arith.constant 0 : i32
        %lt3A_198 = arith.cmpi slt, %select_n3A_191, %lt3A_197 : i32
        %ne3A_199 = arith.xori %lt3A_196, %lt3A_198 : i1
        %and3A_200 = arith.andi %ne3A_199, %ne3A_194 : i1
        %add3A_201 = arith.addi %rem3A_192, %select_n3A_191 : i32
        %select_n3A_202 = arith.select %and3A_200, %add3A_201, %rem3A_192 : i32
        %mul3A_203 = arith.constant 256 : i32
        %mul3A_204 = arith.muli %select_n3A_202, %mul3A_203 : i32
        %dma_wait3A = arith.constant 0 : i32
        %dma_wait3A_205 = tpu.memref_slice %arg4[%select_n3A, %mul3A_204, %dma_wait3A] : memref<100x4096x64xf32, #tpu.memory_space<hbm>> -> memref<1x256x64xf32, #tpu.memory_space<hbm>>
        %dma_wait3A_206 = tpu.memref_squeeze %dma_wait3A_205 : memref<1x256x64xf32, #tpu.memory_space<hbm>> -> memref<256x64xf32, #tpu.memory_space<hbm>>
        %dma_wait3A_207 = arith.constant 0 : i32
        %dma_wait3A_208 = tpu.memref_slice %arg4[%select_n3A, %mul3A_204, %dma_wait3A_207] : memref<100x4096x64xf32, #tpu.memory_space<hbm>> -> memref<1x256x64xf32, #tpu.memory_space<hbm>>
        %dma_wait3A_209 = tpu.memref_squeeze %dma_wait3A_208 : memref<1x256x64xf32, #tpu.memory_space<hbm>> -> memref<256x64xf32, #tpu.memory_space<hbm>>
        tpu.wait_dma2 semaphore(%arg21 : memref<!tpu.dma_semaphore, #tpu.memory_space<semaphore_mem>>) src(%arg9 : memref<256x64xf32, #tpu.memory_space<vmem>>) dst(%dma_wait3A_209 : memref<256x64xf32, #tpu.memory_space<hbm>>)
      } else {
      }
      %lt3A_98 = arith.constant 50 : i32
      %lt3A_99 = arith.cmpi slt, %add3A_87, %lt3A_98 : i32
      %convert_element_type3A_100 = arith.extui %lt3A_99 : i1 to i32
      %cond3A_101 = arith.constant 0 : i32
      %cond3A_102 = arith.cmpi ne, %convert_element_type3A_100, %cond3A_101 : i32
      scf.if %cond3A_102 {
        %dma_start3A = arith.constant 0 : i32
        %dma_start3A_167 = tpu.memref_slice %arg5[%add3A_87, %dma_start3A] : memref<50x256xi32, #tpu.memory_space<vmem>> -> memref<1x256xi32, #tpu.memory_space<vmem>>
        %dma_start3A_168 = tpu.memref_squeeze %dma_start3A_167 : memref<1x256xi32, #tpu.memory_space<vmem>> -> memref<256xi32, #tpu.memory_space<vmem>>
        %dma_start3A_169 = arith.constant 0 : i32
        %dma_start3A_170 = arith.constant 0 : i32
        %dma_start3A_171 = tpu.memref_slice %arg3[%dma_start3A_169, %dma_start3A_170] : memref<1000000x64xf32, #tpu.memory_space<hbm>> -> memref<1000000x64xf32, #tpu.memory_space<hbm>>
        tpu.enqueue_indirect_dma source(%dma_start3A_171 : memref<1000000x64xf32, #tpu.memory_space<hbm>>) target(%arg9 : memref<256x64xf32, #tpu.memory_space<vmem>>) offsets(%dma_start3A_168 : memref<256xi32, #tpu.memory_space<vmem>>) semaphore(%arg15 : memref<!tpu.dma_semaphore, #tpu.memory_space<semaphore_mem>>)
      } else {
      }
      %ge3A_103 = arith.constant 3 : i32
      %ge3A_104 = arith.cmpi sge, %add3A_87, %ge3A_103 : i32
      %sub3A_105 = arith.constant 3 : i32
      %sub3A_106 = arith.subi %add3A_87, %sub3A_105 : i32
      %lt3A_107 = arith.constant 50 : i32
      %lt3A_108 = arith.cmpi slt, %sub3A_106, %lt3A_107 : i32
      %and3A_109 = arith.andi %ge3A_104, %lt3A_108 : i1
      %convert_element_type3A_110 = arith.extui %and3A_109 : i1 to i32
      %cond3A_111 = arith.constant 0 : i32
      %cond3A_112 = arith.cmpi ne, %convert_element_type3A_110, %cond3A_111 : i32
      scf.if %cond3A_112 {
        %sub3A_167 = arith.constant 3 : i32
        %sub3A_168 = arith.subi %add3A_87, %sub3A_167 : i32
        %dma_wait3A = arith.constant 0 : i32
        %dma_wait3A_169 = tpu.memref_slice %arg5[%sub3A_168, %dma_wait3A] : memref<50x256xi32, #tpu.memory_space<vmem>> -> memref<1x256xi32, #tpu.memory_space<vmem>>
        %dma_wait3A_170 = tpu.memref_squeeze %dma_wait3A_169 : memref<1x256xi32, #tpu.memory_space<vmem>> -> memref<256xi32, #tpu.memory_space<vmem>>
        %dma_wait3A_171 = arith.constant 0 : i32
        %dma_wait3A_172 = arith.constant 0 : i32
        %dma_wait3A_173 = tpu.memref_slice %arg3[%dma_wait3A_171, %dma_wait3A_172] : memref<1000000x64xf32, #tpu.memory_space<hbm>> -> memref<1000000x64xf32, #tpu.memory_space<hbm>>
        tpu.wait_indirect_dma semaphore(%arg12 : memref<!tpu.dma_semaphore, #tpu.memory_space<semaphore_mem>>) src(%dma_wait3A_173 : memref<1000000x64xf32, #tpu.memory_space<hbm>>) dst(%arg6 : memref<256x64xf32, #tpu.memory_space<vmem>>)
        %sub3A_174 = arith.constant 3 : i32
        %sub3A_175 = arith.subi %add3A_87, %sub3A_174 : i32
        %add3A_176 = arith.addi %mul3A_2, %sub3A_175 : i32
        %jit3A = arith.constant 16 : i32
        %div3A = arith.divsi %add3A_176, %jit3A : i32
        %sign3A = arith.constant 0 : i32
        %sign3A_177 = arith.cmpi sgt, %add3A_176, %sign3A : i32
        %sign3A_178 = arith.extui %sign3A_177 : i1 to i32
        %sign3A_179 = arith.constant 0 : i32
        %sign3A_180 = arith.cmpi slt, %add3A_176, %sign3A_179 : i32
        %sign3A_181 = arith.extui %sign3A_180 : i1 to i32
        %sign3A_182 = arith.subi %sign3A_178, %sign3A_181 : i32
        %sign3A_183 = arith.constant 0 : i32
        %sign3A_184 = arith.cmpi sgt, %jit3A, %sign3A_183 : i32
        %sign3A_185 = arith.extui %sign3A_184 : i1 to i32
        %sign3A_186 = arith.constant 0 : i32
        %sign3A_187 = arith.cmpi slt, %jit3A, %sign3A_186 : i32
        %sign3A_188 = arith.extui %sign3A_187 : i1 to i32
        %sign3A_189 = arith.subi %sign3A_185, %sign3A_188 : i32
        %ne3A = arith.cmpi ne, %sign3A_182, %sign3A_189 : i32
        %rem3A = arith.remsi %add3A_176, %jit3A : i32
        %ne3A_190 = arith.constant 0 : i32
        %ne3A_191 = arith.cmpi ne, %rem3A, %ne3A_190 : i32
        %and3A_192 = arith.andi %ne3A, %ne3A_191 : i1
        %sub3A_193 = arith.constant 1 : i32
        %sub3A_194 = arith.subi %div3A, %sub3A_193 : i32
        %select_n3A = arith.select %and3A_192, %sub3A_194, %div3A : i32
        %jit3A_195 = arith.constant 16 : i32
        %eq3A = arith.constant 0 : i32
        %eq3A_196 = arith.cmpi eq, %jit3A_195, %eq3A : i32
        %jit3A_197 = arith.constant 1 : i32
        %select_n3A_198 = arith.select %eq3A_196, %jit3A_197, %jit3A_195 : i32
        %rem3A_199 = arith.remsi %add3A_176, %select_n3A_198 : i32
        %ne3A_200 = arith.constant 0 : i32
        %ne3A_201 = arith.cmpi ne, %rem3A_199, %ne3A_200 : i32
        %lt3A_202 = arith.constant 0 : i32
        %lt3A_203 = arith.cmpi slt, %rem3A_199, %lt3A_202 : i32
        %lt3A_204 = arith.constant 0 : i32
        %lt3A_205 = arith.cmpi slt, %select_n3A_198, %lt3A_204 : i32
        %ne3A_206 = arith.xori %lt3A_203, %lt3A_205 : i1
        %and3A_207 = arith.andi %ne3A_206, %ne3A_201 : i1
        %add3A_208 = arith.addi %rem3A_199, %select_n3A_198 : i32
        %select_n3A_209 = arith.select %and3A_207, %add3A_208, %rem3A_199 : i32
        %mul3A_210 = arith.constant 256 : i32
        %mul3A_211 = arith.muli %select_n3A_209, %mul3A_210 : i32
        %dma_start3A = arith.constant 0 : i32
        %dma_start3A_212 = tpu.memref_slice %arg4[%select_n3A, %mul3A_211, %dma_start3A] : memref<100x4096x64xf32, #tpu.memory_space<hbm>> -> memref<1x256x64xf32, #tpu.memory_space<hbm>>
        %dma_start3A_213 = tpu.memref_squeeze %dma_start3A_212 : memref<1x256x64xf32, #tpu.memory_space<hbm>> -> memref<256x64xf32, #tpu.memory_space<hbm>>
        %dma_start3A_214 = arith.constant 0 : i32
        %dma_start3A_215 = tpu.memref_slice %arg4[%select_n3A, %mul3A_211, %dma_start3A_214] : memref<100x4096x64xf32, #tpu.memory_space<hbm>> -> memref<1x256x64xf32, #tpu.memory_space<hbm>>
        %dma_start3A_216 = tpu.memref_squeeze %dma_start3A_215 : memref<1x256x64xf32, #tpu.memory_space<hbm>> -> memref<256x64xf32, #tpu.memory_space<hbm>>
        tpu.enqueue_dma source(%arg6 : memref<256x64xf32, #tpu.memory_space<vmem>>) target(%dma_start3A_216 : memref<256x64xf32, #tpu.memory_space<hbm>>) target_semaphore(%arg18 : memref<!tpu.dma_semaphore, #tpu.memory_space<semaphore_mem>>)
      } else {
      }
      %add3A_113 = arith.constant 4 : i32
      %add3A_114 = arith.addi %mul3A_10, %add3A_113 : i32
      %ge3A_115 = arith.constant 6 : i32
      %ge3A_116 = arith.cmpi sge, %add3A_114, %ge3A_115 : i32
      %sub3A_117 = arith.constant 6 : i32
      %sub3A_118 = arith.subi %add3A_114, %sub3A_117 : i32
      %lt3A_119 = arith.constant 50 : i32
      %lt3A_120 = arith.cmpi slt, %sub3A_118, %lt3A_119 : i32
      %and3A_121 = arith.andi %ge3A_116, %lt3A_120 : i1
      %convert_element_type3A_122 = arith.extui %and3A_121 : i1 to i32
      %cond3A_123 = arith.constant 0 : i32
      %cond3A_124 = arith.cmpi ne, %convert_element_type3A_122, %cond3A_123 : i32
      scf.if %cond3A_124 {
        %sub3A_167 = arith.constant 6 : i32
        %sub3A_168 = arith.subi %add3A_114, %sub3A_167 : i32
        %add3A_169 = arith.addi %mul3A_2, %sub3A_168 : i32
        %jit3A = arith.constant 16 : i32
        %div3A = arith.divsi %add3A_169, %jit3A : i32
        %sign3A = arith.constant 0 : i32
        %sign3A_170 = arith.cmpi sgt, %add3A_169, %sign3A : i32
        %sign3A_171 = arith.extui %sign3A_170 : i1 to i32
        %sign3A_172 = arith.constant 0 : i32
        %sign3A_173 = arith.cmpi slt, %add3A_169, %sign3A_172 : i32
        %sign3A_174 = arith.extui %sign3A_173 : i1 to i32
        %sign3A_175 = arith.subi %sign3A_171, %sign3A_174 : i32
        %sign3A_176 = arith.constant 0 : i32
        %sign3A_177 = arith.cmpi sgt, %jit3A, %sign3A_176 : i32
        %sign3A_178 = arith.extui %sign3A_177 : i1 to i32
        %sign3A_179 = arith.constant 0 : i32
        %sign3A_180 = arith.cmpi slt, %jit3A, %sign3A_179 : i32
        %sign3A_181 = arith.extui %sign3A_180 : i1 to i32
        %sign3A_182 = arith.subi %sign3A_178, %sign3A_181 : i32
        %ne3A = arith.cmpi ne, %sign3A_175, %sign3A_182 : i32
        %rem3A = arith.remsi %add3A_169, %jit3A : i32
        %ne3A_183 = arith.constant 0 : i32
        %ne3A_184 = arith.cmpi ne, %rem3A, %ne3A_183 : i32
        %and3A_185 = arith.andi %ne3A, %ne3A_184 : i1
        %sub3A_186 = arith.constant 1 : i32
        %sub3A_187 = arith.subi %div3A, %sub3A_186 : i32
        %select_n3A = arith.select %and3A_185, %sub3A_187, %div3A : i32
        %jit3A_188 = arith.constant 16 : i32
        %eq3A = arith.constant 0 : i32
        %eq3A_189 = arith.cmpi eq, %jit3A_188, %eq3A : i32
        %jit3A_190 = arith.constant 1 : i32
        %select_n3A_191 = arith.select %eq3A_189, %jit3A_190, %jit3A_188 : i32
        %rem3A_192 = arith.remsi %add3A_169, %select_n3A_191 : i32
        %ne3A_193 = arith.constant 0 : i32
        %ne3A_194 = arith.cmpi ne, %rem3A_192, %ne3A_193 : i32
        %lt3A_195 = arith.constant 0 : i32
        %lt3A_196 = arith.cmpi slt, %rem3A_192, %lt3A_195 : i32
        %lt3A_197 = arith.constant 0 : i32
        %lt3A_198 = arith.cmpi slt, %select_n3A_191, %lt3A_197 : i32
        %ne3A_199 = arith.xori %lt3A_196, %lt3A_198 : i1
        %and3A_200 = arith.andi %ne3A_199, %ne3A_194 : i1
        %add3A_201 = arith.addi %rem3A_192, %select_n3A_191 : i32
        %select_n3A_202 = arith.select %and3A_200, %add3A_201, %rem3A_192 : i32
        %mul3A_203 = arith.constant 256 : i32
        %mul3A_204 = arith.muli %select_n3A_202, %mul3A_203 : i32
        %dma_wait3A = arith.constant 0 : i32
        %dma_wait3A_205 = tpu.memref_slice %arg4[%select_n3A, %mul3A_204, %dma_wait3A] : memref<100x4096x64xf32, #tpu.memory_space<hbm>> -> memref<1x256x64xf32, #tpu.memory_space<hbm>>
        %dma_wait3A_206 = tpu.memref_squeeze %dma_wait3A_205 : memref<1x256x64xf32, #tpu.memory_space<hbm>> -> memref<256x64xf32, #tpu.memory_space<hbm>>
        %dma_wait3A_207 = arith.constant 0 : i32
        %dma_wait3A_208 = tpu.memref_slice %arg4[%select_n3A, %mul3A_204, %dma_wait3A_207] : memref<100x4096x64xf32, #tpu.memory_space<hbm>> -> memref<1x256x64xf32, #tpu.memory_space<hbm>>
        %dma_wait3A_209 = tpu.memref_squeeze %dma_wait3A_208 : memref<1x256x64xf32, #tpu.memory_space<hbm>> -> memref<256x64xf32, #tpu.memory_space<hbm>>
        tpu.wait_dma2 semaphore(%arg22 : memref<!tpu.dma_semaphore, #tpu.memory_space<semaphore_mem>>) src(%arg10 : memref<256x64xf32, #tpu.memory_space<vmem>>) dst(%dma_wait3A_209 : memref<256x64xf32, #tpu.memory_space<hbm>>)
      } else {
      }
      %lt3A_125 = arith.constant 50 : i32
      %lt3A_126 = arith.cmpi slt, %add3A_114, %lt3A_125 : i32
      %convert_element_type3A_127 = arith.extui %lt3A_126 : i1 to i32
      %cond3A_128 = arith.constant 0 : i32
      %cond3A_129 = arith.cmpi ne, %convert_element_type3A_127, %cond3A_128 : i32
      scf.if %cond3A_129 {
        %dma_start3A = arith.constant 0 : i32
        %dma_start3A_167 = tpu.memref_slice %arg5[%add3A_114, %dma_start3A] : memref<50x256xi32, #tpu.memory_space<vmem>> -> memref<1x256xi32, #tpu.memory_space<vmem>>
        %dma_start3A_168 = tpu.memref_squeeze %dma_start3A_167 : memref<1x256xi32, #tpu.memory_space<vmem>> -> memref<256xi32, #tpu.memory_space<vmem>>
        %dma_start3A_169 = arith.constant 0 : i32
        %dma_start3A_170 = arith.constant 0 : i32
        %dma_start3A_171 = tpu.memref_slice %arg3[%dma_start3A_169, %dma_start3A_170] : memref<1000000x64xf32, #tpu.memory_space<hbm>> -> memref<1000000x64xf32, #tpu.memory_space<hbm>>
        tpu.enqueue_indirect_dma source(%dma_start3A_171 : memref<1000000x64xf32, #tpu.memory_space<hbm>>) target(%arg10 : memref<256x64xf32, #tpu.memory_space<vmem>>) offsets(%dma_start3A_168 : memref<256xi32, #tpu.memory_space<vmem>>) semaphore(%arg16 : memref<!tpu.dma_semaphore, #tpu.memory_space<semaphore_mem>>)
      } else {
      }
      %ge3A_130 = arith.constant 3 : i32
      %ge3A_131 = arith.cmpi sge, %add3A_114, %ge3A_130 : i32
      %sub3A_132 = arith.constant 3 : i32
      %sub3A_133 = arith.subi %add3A_114, %sub3A_132 : i32
      %lt3A_134 = arith.constant 50 : i32
      %lt3A_135 = arith.cmpi slt, %sub3A_133, %lt3A_134 : i32
      %and3A_136 = arith.andi %ge3A_131, %lt3A_135 : i1
      %convert_element_type3A_137 = arith.extui %and3A_136 : i1 to i32
      %cond3A_138 = arith.constant 0 : i32
      %cond3A_139 = arith.cmpi ne, %convert_element_type3A_137, %cond3A_138 : i32
      scf.if %cond3A_139 {
        %sub3A_167 = arith.constant 3 : i32
        %sub3A_168 = arith.subi %add3A_114, %sub3A_167 : i32
        %dma_wait3A = arith.constant 0 : i32
        %dma_wait3A_169 = tpu.memref_slice %arg5[%sub3A_168, %dma_wait3A] : memref<50x256xi32, #tpu.memory_space<vmem>> -> memref<1x256xi32, #tpu.memory_space<vmem>>
        %dma_wait3A_170 = tpu.memref_squeeze %dma_wait3A_169 : memref<1x256xi32, #tpu.memory_space<vmem>> -> memref<256xi32, #tpu.memory_space<vmem>>
        %dma_wait3A_171 = arith.constant 0 : i32
        %dma_wait3A_172 = arith.constant 0 : i32
        %dma_wait3A_173 = tpu.memref_slice %arg3[%dma_wait3A_171, %dma_wait3A_172] : memref<1000000x64xf32, #tpu.memory_space<hbm>> -> memref<1000000x64xf32, #tpu.memory_space<hbm>>
        tpu.wait_indirect_dma semaphore(%arg13 : memref<!tpu.dma_semaphore, #tpu.memory_space<semaphore_mem>>) src(%dma_wait3A_173 : memref<1000000x64xf32, #tpu.memory_space<hbm>>) dst(%arg7 : memref<256x64xf32, #tpu.memory_space<vmem>>)
        %sub3A_174 = arith.constant 3 : i32
        %sub3A_175 = arith.subi %add3A_114, %sub3A_174 : i32
        %add3A_176 = arith.addi %mul3A_2, %sub3A_175 : i32
        %jit3A = arith.constant 16 : i32
        %div3A = arith.divsi %add3A_176, %jit3A : i32
        %sign3A = arith.constant 0 : i32
        %sign3A_177 = arith.cmpi sgt, %add3A_176, %sign3A : i32
        %sign3A_178 = arith.extui %sign3A_177 : i1 to i32
        %sign3A_179 = arith.constant 0 : i32
        %sign3A_180 = arith.cmpi slt, %add3A_176, %sign3A_179 : i32
        %sign3A_181 = arith.extui %sign3A_180 : i1 to i32
        %sign3A_182 = arith.subi %sign3A_178, %sign3A_181 : i32
        %sign3A_183 = arith.constant 0 : i32
        %sign3A_184 = arith.cmpi sgt, %jit3A, %sign3A_183 : i32
        %sign3A_185 = arith.extui %sign3A_184 : i1 to i32
        %sign3A_186 = arith.constant 0 : i32
        %sign3A_187 = arith.cmpi slt, %jit3A, %sign3A_186 : i32
        %sign3A_188 = arith.extui %sign3A_187 : i1 to i32
        %sign3A_189 = arith.subi %sign3A_185, %sign3A_188 : i32
        %ne3A = arith.cmpi ne, %sign3A_182, %sign3A_189 : i32
        %rem3A = arith.remsi %add3A_176, %jit3A : i32
        %ne3A_190 = arith.constant 0 : i32
        %ne3A_191 = arith.cmpi ne, %rem3A, %ne3A_190 : i32
        %and3A_192 = arith.andi %ne3A, %ne3A_191 : i1
        %sub3A_193 = arith.constant 1 : i32
        %sub3A_194 = arith.subi %div3A, %sub3A_193 : i32
        %select_n3A = arith.select %and3A_192, %sub3A_194, %div3A : i32
        %jit3A_195 = arith.constant 16 : i32
        %eq3A = arith.constant 0 : i32
        %eq3A_196 = arith.cmpi eq, %jit3A_195, %eq3A : i32
        %jit3A_197 = arith.constant 1 : i32
        %select_n3A_198 = arith.select %eq3A_196, %jit3A_197, %jit3A_195 : i32
        %rem3A_199 = arith.remsi %add3A_176, %select_n3A_198 : i32
        %ne3A_200 = arith.constant 0 : i32
        %ne3A_201 = arith.cmpi ne, %rem3A_199, %ne3A_200 : i32
        %lt3A_202 = arith.constant 0 : i32
        %lt3A_203 = arith.cmpi slt, %rem3A_199, %lt3A_202 : i32
        %lt3A_204 = arith.constant 0 : i32
        %lt3A_205 = arith.cmpi slt, %select_n3A_198, %lt3A_204 : i32
        %ne3A_206 = arith.xori %lt3A_203, %lt3A_205 : i1
        %and3A_207 = arith.andi %ne3A_206, %ne3A_201 : i1
        %add3A_208 = arith.addi %rem3A_199, %select_n3A_198 : i32
        %select_n3A_209 = arith.select %and3A_207, %add3A_208, %rem3A_199 : i32
        %mul3A_210 = arith.constant 256 : i32
        %mul3A_211 = arith.muli %select_n3A_209, %mul3A_210 : i32
        %dma_start3A = arith.constant 0 : i32
        %dma_start3A_212 = tpu.memref_slice %arg4[%select_n3A, %mul3A_211, %dma_start3A] : memref<100x4096x64xf32, #tpu.memory_space<hbm>> -> memref<1x256x64xf32, #tpu.memory_space<hbm>>
        %dma_start3A_213 = tpu.memref_squeeze %dma_start3A_212 : memref<1x256x64xf32, #tpu.memory_space<hbm>> -> memref<256x64xf32, #tpu.memory_space<hbm>>
        %dma_start3A_214 = arith.constant 0 : i32
        %dma_start3A_215 = tpu.memref_slice %arg4[%select_n3A, %mul3A_211, %dma_start3A_214] : memref<100x4096x64xf32, #tpu.memory_space<hbm>> -> memref<1x256x64xf32, #tpu.memory_space<hbm>>
        %dma_start3A_216 = tpu.memref_squeeze %dma_start3A_215 : memref<1x256x64xf32, #tpu.memory_space<hbm>> -> memref<256x64xf32, #tpu.memory_space<hbm>>
        tpu.enqueue_dma source(%arg7 : memref<256x64xf32, #tpu.memory_space<vmem>>) target(%dma_start3A_216 : memref<256x64xf32, #tpu.memory_space<hbm>>) target_semaphore(%arg19 : memref<!tpu.dma_semaphore, #tpu.memory_space<semaphore_mem>>)
      } else {
      }
      %add3A_140 = arith.constant 5 : i32
      %add3A_141 = arith.addi %mul3A_10, %add3A_140 : i32
      %ge3A_142 = arith.constant 6 : i32
      %ge3A_143 = arith.cmpi sge, %add3A_141, %ge3A_142 : i32
      %sub3A_144 = arith.constant 6 : i32
      %sub3A_145 = arith.subi %add3A_141, %sub3A_144 : i32
      %lt3A_146 = arith.constant 50 : i32
      %lt3A_147 = arith.cmpi slt, %sub3A_145, %lt3A_146 : i32
      %and3A_148 = arith.andi %ge3A_143, %lt3A_147 : i1
      %convert_element_type3A_149 = arith.extui %and3A_148 : i1 to i32
      %cond3A_150 = arith.constant 0 : i32
      %cond3A_151 = arith.cmpi ne, %convert_element_type3A_149, %cond3A_150 : i32
      scf.if %cond3A_151 {
        %sub3A_167 = arith.constant 6 : i32
        %sub3A_168 = arith.subi %add3A_141, %sub3A_167 : i32
        %add3A_169 = arith.addi %mul3A_2, %sub3A_168 : i32
        %jit3A = arith.constant 16 : i32
        %div3A = arith.divsi %add3A_169, %jit3A : i32
        %sign3A = arith.constant 0 : i32
        %sign3A_170 = arith.cmpi sgt, %add3A_169, %sign3A : i32
        %sign3A_171 = arith.extui %sign3A_170 : i1 to i32
        %sign3A_172 = arith.constant 0 : i32
        %sign3A_173 = arith.cmpi slt, %add3A_169, %sign3A_172 : i32
        %sign3A_174 = arith.extui %sign3A_173 : i1 to i32
        %sign3A_175 = arith.subi %sign3A_171, %sign3A_174 : i32
        %sign3A_176 = arith.constant 0 : i32
        %sign3A_177 = arith.cmpi sgt, %jit3A, %sign3A_176 : i32
        %sign3A_178 = arith.extui %sign3A_177 : i1 to i32
        %sign3A_179 = arith.constant 0 : i32
        %sign3A_180 = arith.cmpi slt, %jit3A, %sign3A_179 : i32
        %sign3A_181 = arith.extui %sign3A_180 : i1 to i32
        %sign3A_182 = arith.subi %sign3A_178, %sign3A_181 : i32
        %ne3A = arith.cmpi ne, %sign3A_175, %sign3A_182 : i32
        %rem3A = arith.remsi %add3A_169, %jit3A : i32
        %ne3A_183 = arith.constant 0 : i32
        %ne3A_184 = arith.cmpi ne, %rem3A, %ne3A_183 : i32
        %and3A_185 = arith.andi %ne3A, %ne3A_184 : i1
        %sub3A_186 = arith.constant 1 : i32
        %sub3A_187 = arith.subi %div3A, %sub3A_186 : i32
        %select_n3A = arith.select %and3A_185, %sub3A_187, %div3A : i32
        %jit3A_188 = arith.constant 16 : i32
        %eq3A = arith.constant 0 : i32
        %eq3A_189 = arith.cmpi eq, %jit3A_188, %eq3A : i32
        %jit3A_190 = arith.constant 1 : i32
        %select_n3A_191 = arith.select %eq3A_189, %jit3A_190, %jit3A_188 : i32
        %rem3A_192 = arith.remsi %add3A_169, %select_n3A_191 : i32
        %ne3A_193 = arith.constant 0 : i32
        %ne3A_194 = arith.cmpi ne, %rem3A_192, %ne3A_193 : i32
        %lt3A_195 = arith.constant 0 : i32
        %lt3A_196 = arith.cmpi slt, %rem3A_192, %lt3A_195 : i32
        %lt3A_197 = arith.constant 0 : i32
        %lt3A_198 = arith.cmpi slt, %select_n3A_191, %lt3A_197 : i32
        %ne3A_199 = arith.xori %lt3A_196, %lt3A_198 : i1
        %and3A_200 = arith.andi %ne3A_199, %ne3A_194 : i1
        %add3A_201 = arith.addi %rem3A_192, %select_n3A_191 : i32
        %select_n3A_202 = arith.select %and3A_200, %add3A_201, %rem3A_192 : i32
        %mul3A_203 = arith.constant 256 : i32
        %mul3A_204 = arith.muli %select_n3A_202, %mul3A_203 : i32
        %dma_wait3A = arith.constant 0 : i32
        %dma_wait3A_205 = tpu.memref_slice %arg4[%select_n3A, %mul3A_204, %dma_wait3A] : memref<100x4096x64xf32, #tpu.memory_space<hbm>> -> memref<1x256x64xf32, #tpu.memory_space<hbm>>
        %dma_wait3A_206 = tpu.memref_squeeze %dma_wait3A_205 : memref<1x256x64xf32, #tpu.memory_space<hbm>> -> memref<256x64xf32, #tpu.memory_space<hbm>>
        %dma_wait3A_207 = arith.constant 0 : i32
        %dma_wait3A_208 = tpu.memref_slice %arg4[%select_n3A, %mul3A_204, %dma_wait3A_207] : memref<100x4096x64xf32, #tpu.memory_space<hbm>> -> memref<1x256x64xf32, #tpu.memory_space<hbm>>
        %dma_wait3A_209 = tpu.memref_squeeze %dma_wait3A_208 : memref<1x256x64xf32, #tpu.memory_space<hbm>> -> memref<256x64xf32, #tpu.memory_space<hbm>>
        tpu.wait_dma2 semaphore(%arg23 : memref<!tpu.dma_semaphore, #tpu.memory_space<semaphore_mem>>) src(%arg11 : memref<256x64xf32, #tpu.memory_space<vmem>>) dst(%dma_wait3A_209 : memref<256x64xf32, #tpu.memory_space<hbm>>)
      } else {
      }
      %lt3A_152 = arith.constant 50 : i32
      %lt3A_153 = arith.cmpi slt, %add3A_141, %lt3A_152 : i32
      %convert_element_type3A_154 = arith.extui %lt3A_153 : i1 to i32
      %cond3A_155 = arith.constant 0 : i32
      %cond3A_156 = arith.cmpi ne, %convert_element_type3A_154, %cond3A_155 : i32
      scf.if %cond3A_156 {
        %dma_start3A = arith.constant 0 : i32
        %dma_start3A_167 = tpu.memref_slice %arg5[%add3A_141, %dma_start3A] : memref<50x256xi32, #tpu.memory_space<vmem>> -> memref<1x256xi32, #tpu.memory_space<vmem>>
        %dma_start3A_168 = tpu.memref_squeeze %dma_start3A_167 : memref<1x256xi32, #tpu.memory_space<vmem>> -> memref<256xi32, #tpu.memory_space<vmem>>
        %dma_start3A_169 = arith.constant 0 : i32
        %dma_start3A_170 = arith.constant 0 : i32
        %dma_start3A_171 = tpu.memref_slice %arg3[%dma_start3A_169, %dma_start3A_170] : memref<1000000x64xf32, #tpu.memory_space<hbm>> -> memref<1000000x64xf32, #tpu.memory_space<hbm>>
        tpu.enqueue_indirect_dma source(%dma_start3A_171 : memref<1000000x64xf32, #tpu.memory_space<hbm>>) target(%arg11 : memref<256x64xf32, #tpu.memory_space<vmem>>) offsets(%dma_start3A_168 : memref<256xi32, #tpu.memory_space<vmem>>) semaphore(%arg17 : memref<!tpu.dma_semaphore, #tpu.memory_space<semaphore_mem>>)
      } else {
      }
      %ge3A_157 = arith.constant 3 : i32
      %ge3A_158 = arith.cmpi sge, %add3A_141, %ge3A_157 : i32
      %sub3A_159 = arith.constant 3 : i32
      %sub3A_160 = arith.subi %add3A_141, %sub3A_159 : i32
      %lt3A_161 = arith.constant 50 : i32
      %lt3A_162 = arith.cmpi slt, %sub3A_160, %lt3A_161 : i32
      %and3A_163 = arith.andi %ge3A_158, %lt3A_162 : i1
      %convert_element_type3A_164 = arith.extui %and3A_163 : i1 to i32
      %cond3A_165 = arith.constant 0 : i32
      %cond3A_166 = arith.cmpi ne, %convert_element_type3A_164, %cond3A_165 : i32
      scf.if %cond3A_166 {
        %sub3A_167 = arith.constant 3 : i32
        %sub3A_168 = arith.subi %add3A_141, %sub3A_167 : i32
        %dma_wait3A = arith.constant 0 : i32
        %dma_wait3A_169 = tpu.memref_slice %arg5[%sub3A_168, %dma_wait3A] : memref<50x256xi32, #tpu.memory_space<vmem>> -> memref<1x256xi32, #tpu.memory_space<vmem>>
        %dma_wait3A_170 = tpu.memref_squeeze %dma_wait3A_169 : memref<1x256xi32, #tpu.memory_space<vmem>> -> memref<256xi32, #tpu.memory_space<vmem>>
        %dma_wait3A_171 = arith.constant 0 : i32
        %dma_wait3A_172 = arith.constant 0 : i32
        %dma_wait3A_173 = tpu.memref_slice %arg3[%dma_wait3A_171, %dma_wait3A_172] : memref<1000000x64xf32, #tpu.memory_space<hbm>> -> memref<1000000x64xf32, #tpu.memory_space<hbm>>
        tpu.wait_indirect_dma semaphore(%arg14 : memref<!tpu.dma_semaphore, #tpu.memory_space<semaphore_mem>>) src(%dma_wait3A_173 : memref<1000000x64xf32, #tpu.memory_space<hbm>>) dst(%arg8 : memref<256x64xf32, #tpu.memory_space<vmem>>)
        %sub3A_174 = arith.constant 3 : i32
        %sub3A_175 = arith.subi %add3A_141, %sub3A_174 : i32
        %add3A_176 = arith.addi %mul3A_2, %sub3A_175 : i32
        %jit3A = arith.constant 16 : i32
        %div3A = arith.divsi %add3A_176, %jit3A : i32
        %sign3A = arith.constant 0 : i32
        %sign3A_177 = arith.cmpi sgt, %add3A_176, %sign3A : i32
        %sign3A_178 = arith.extui %sign3A_177 : i1 to i32
        %sign3A_179 = arith.constant 0 : i32
        %sign3A_180 = arith.cmpi slt, %add3A_176, %sign3A_179 : i32
        %sign3A_181 = arith.extui %sign3A_180 : i1 to i32
        %sign3A_182 = arith.subi %sign3A_178, %sign3A_181 : i32
        %sign3A_183 = arith.constant 0 : i32
        %sign3A_184 = arith.cmpi sgt, %jit3A, %sign3A_183 : i32
        %sign3A_185 = arith.extui %sign3A_184 : i1 to i32
        %sign3A_186 = arith.constant 0 : i32
        %sign3A_187 = arith.cmpi slt, %jit3A, %sign3A_186 : i32
        %sign3A_188 = arith.extui %sign3A_187 : i1 to i32
        %sign3A_189 = arith.subi %sign3A_185, %sign3A_188 : i32
        %ne3A = arith.cmpi ne, %sign3A_182, %sign3A_189 : i32
        %rem3A = arith.remsi %add3A_176, %jit3A : i32
        %ne3A_190 = arith.constant 0 : i32
        %ne3A_191 = arith.cmpi ne, %rem3A, %ne3A_190 : i32
        %and3A_192 = arith.andi %ne3A, %ne3A_191 : i1
        %sub3A_193 = arith.constant 1 : i32
        %sub3A_194 = arith.subi %div3A, %sub3A_193 : i32
        %select_n3A = arith.select %and3A_192, %sub3A_194, %div3A : i32
        %jit3A_195 = arith.constant 16 : i32
        %eq3A = arith.constant 0 : i32
        %eq3A_196 = arith.cmpi eq, %jit3A_195, %eq3A : i32
        %jit3A_197 = arith.constant 1 : i32
        %select_n3A_198 = arith.select %eq3A_196, %jit3A_197, %jit3A_195 : i32
        %rem3A_199 = arith.remsi %add3A_176, %select_n3A_198 : i32
        %ne3A_200 = arith.constant 0 : i32
        %ne3A_201 = arith.cmpi ne, %rem3A_199, %ne3A_200 : i32
        %lt3A_202 = arith.constant 0 : i32
        %lt3A_203 = arith.cmpi slt, %rem3A_199, %lt3A_202 : i32
        %lt3A_204 = arith.constant 0 : i32
        %lt3A_205 = arith.cmpi slt, %select_n3A_198, %lt3A_204 : i32
        %ne3A_206 = arith.xori %lt3A_203, %lt3A_205 : i1
        %and3A_207 = arith.andi %ne3A_206, %ne3A_201 : i1
        %add3A_208 = arith.addi %rem3A_199, %select_n3A_198 : i32
        %select_n3A_209 = arith.select %and3A_207, %add3A_208, %rem3A_199 : i32
        %mul3A_210 = arith.constant 256 : i32
        %mul3A_211 = arith.muli %select_n3A_209, %mul3A_210 : i32
        %dma_start3A = arith.constant 0 : i32
        %dma_start3A_212 = tpu.memref_slice %arg4[%select_n3A, %mul3A_211, %dma_start3A] : memref<100x4096x64xf32, #tpu.memory_space<hbm>> -> memref<1x256x64xf32, #tpu.memory_space<hbm>>
        %dma_start3A_213 = tpu.memref_squeeze %dma_start3A_212 : memref<1x256x64xf32, #tpu.memory_space<hbm>> -> memref<256x64xf32, #tpu.memory_space<hbm>>
        %dma_start3A_214 = arith.constant 0 : i32
        %dma_start3A_215 = tpu.memref_slice %arg4[%select_n3A, %mul3A_211, %dma_start3A_214] : memref<100x4096x64xf32, #tpu.memory_space<hbm>> -> memref<1x256x64xf32, #tpu.memory_space<hbm>>
        %dma_start3A_216 = tpu.memref_squeeze %dma_start3A_215 : memref<1x256x64xf32, #tpu.memory_space<hbm>> -> memref<256x64xf32, #tpu.memory_space<hbm>>
        tpu.enqueue_dma source(%arg8 : memref<256x64xf32, #tpu.memory_space<vmem>>) target(%dma_start3A_216 : memref<256x64xf32, #tpu.memory_space<hbm>>) target_semaphore(%arg20 : memref<!tpu.dma_semaphore, #tpu.memory_space<semaphore_mem>>)
      } else {
      }
    }
    %scan3A_7 = arith.constant 10 : i32
    return
  }
}

</mosaic_0001>

<sc_bundles>
// kernel: kernel.4.cloned.1.call-start
scs
__scs_entry_jumppad:
0x0: {  	(pc) =	sbr.rel $0x88, $3  }
0x1: {  	(tag) =	ssettag $0x0;
	lr =	simm.s32 $0x1  }
0x2: {  	[smem:$0x3F9F] =	sst lr;
	_ =	strace $0xD0000000  }
0x3: {  	_ = 	snop  }
0x4: {  	_ = 	snop  }
0x5: {  	_ = 	snop  }
0x6: {  	_ = 	snop  }
0x7: {  	_ = 	snop  }
__scs_overlays_trampoline_lowered:
0x8: {  	[smem:$0x3FAE] =	sst s0  }
0x9: {  	[smem:$0x3FAF] =	sst s1  }
0xa: {  	[smem:$0x3FB0] =	sst s2  }
0xb: {  	[smem:$0x3FB1] =	sst s3  }
0xc: {  	[smem:$0x3FB2] =	sst s4  }
0xd: {  	[smem:$0x3FB3] =	sst s5  }
0xe: {  	[smem:$0x3FB4] =	sst s6  }
0xf: {  	[smem:$0x3FB5] =	sst s7  }
0x10: {  	[smem:$0x3FB6] =	sst s8  }
0x11: {  	[smem:$0x3FB7] =	sst s9;
	s0 =	simm.s32 @!p0 $0x0  }
0x12: {  	s1 =	sld [smem:$0x3F9D];
	s0 =	simm.s32 @p0 $0x1  }
0x13: {  	[smem:$0x3FB8] =	sst s0;
	s0 =	simm.s32 @!p1 $0x0  }
0x14: {  	s2 =	sld [smem:$0x3F9C];
	s0 =	simm.s32 @p1 $0x1  }
0x15: {  	[smem:$0x3FB9] =	sst s0;
	s0 =	simm.s32 @!p2 $0x0  }
0x16: {  	s3 =	sld [smem:$0x3FDB];
	s0 =	simm.s32 @p2 $0x1  }
0x17: {  	s4 =	simm.s32 $0x1BF5;
	[smem:$0x3FBB] =	sst s0  }
0x18: {  	s0 =	sld [smem:$0x3F9E];
	_ =	swait.ge [sflag:s4], $0x0  }
0x19: {  	s7 =	sld [smem:$0x3F9F]  }
0x1a: {  	s8 =	sadd.s32 $0xFFFFE003, lr  }
0x1b: {  	s9 =	sadd.s32 $0xFFFFFEF7, lr;
	s5 =	simm.s32 $0xFFFFFFFF;
	p2 =	slt.u32 s8, $0xFFFFF086  }
0x1c: {  	p1 =	slt.u32 s9, $0xF7A;
	s5 =	simm.s32 @!p2 $0x0  }
0x1d: {  	s5 =	simm.s32 @p1 $0x1;
	p0 =	seq.s32 s7, s2  }
0x1e: {  	s7 =	smul.u32 @!p0 $0xF7A, s2;
	p2 =	seq.s32 @!p0 s5, $0x0  }
0x1f: {  	s9 =	smul.u32 $0xF7A, s1;
	s8 =	simm.s32 @!p0 $0x1BF5;
	p2 =	por !p2, p0  }
0x20: {  	[sflag:s8] =	ssyncset.s32 @!p0 $0xFFFFF086;
	s6 =	sadd.s32 @!p0 s3, s7;
	s7 =	simm.s32 @!p0 $0x108  }
0x21: {  	s3 =	sadd.s32 s3, s9;
	s6 =	sadd.s32 @!p0 $0x88, s6;
	s7 =	simm.s32 @p2 $0x1082  }
0x22: {  	[simem:s7], [sflag:s8] =	dma.local @!p0 [hbm:s6], $0xF7A  }
0x23: {  	s9 =	sor.u32 $0xD0000000, s2;
	s6 =	simm.s32 $0x108;
	_ =	swait.ge @!p0 [sflag:s8], $0x0  }
0x24: {  	s3 =	sadd.s32 $0x88, s3;
	s6 =	simm.s32 @!p1 $0x1082;
	[sflag:s4] =	ssyncset.s32 $0xFFFFF086  }
0x25: {  	[simem:s6], [sflag:s4] =	dma.local [hbm:s3], $0xF7A  }
0x26: {  	[smem:$0x3F9F] =	sst s1;
	(tag) =	ssettag s2;
	_ =	strace s9  }
0x27: {  	s1 =	sld [smem:$0x3FAF]  }
0x28: {  	s2 =	sld [smem:$0x3FB0]  }
0x29: {  	s4 =	sld [smem:$0x3FB2]  }
0x2a: {  	p0 =	seq.s32 s5, $0x0;
	s5 =	sld [smem:$0x3FB3]  }
0x2b: {  	s6 =	sld [smem:$0x3FB4]  }
0x2c: {  	s7 =	sld [smem:$0x3FB5]  }
0x2d: {  	s3 =	simm.s32 $0x108;
	s8 =	sld [smem:$0x3FB6]  }
0x2e: {  	s3 =	simm.s32 @!p0 $0x1082;
	s9 =	sld [smem:$0x3FB7]  }
0x2f: {  	lr =	sadd.s32 s0, s3;
	s0 =	sld [smem:$0x3FAE]  }
0x30: {  	s3 =	sld [smem:$0x3FB1]  }
0x31: {  	[smem:$0x3FBA] =	sst s10  }
0x32: {  	s10 =	sld [smem:$0x3FB8];
	_ =	sdelay $0x3  }
0x33: {  	p0 =	seq.s32 s10, $0x1;
	s10 =	sld [smem:$0x3FBA];
	_ =	sdelay $0x3  }
0x34: {  	[smem:$0x3FBA] =	sst s10  }
0x35: {  	s10 =	sld [smem:$0x3FB9];
	_ =	sdelay $0x3  }
0x36: {  	p1 =	seq.s32 s10, $0x1;
	s10 =	sld [smem:$0x3FBA];
	_ =	sdelay $0x3  }
0x37: {  	[smem:$0x3FBA] =	sst s10  }
0x38: {  	s10 =	sld [smem:$0x3FBB]  }
0x39: {  	_ = 	snop;
	(pc) =	sbr.ind lr, $3  }
0x3a: {  	_ = 	snop  }
0x3b: {  	_ = 	snop  }
0x3c: {  	p2 =	seq.s32 s10, $0x1;
	s10 =	sld [smem:$0x3FBA]  }
0x3d: {  	_ =	shalt  }
0x3e: {  	_ =	shalt  }
0x3f: {  	_ =	shalt  }
0x40: {  	_ =	shalt  }
0x41: {  	_ =	shalt  }
0x42: {  	_ =	shalt  }
0x43: {  	_ =	shalt  }
0x44: {  	_ =	shalt  }
0x45: {  	_ =	shalt  }
0x46: {  	_ =	shalt  }
0x47: {  	_ =	shalt  }
0x48: {  	_ =	shalt  }
0x49: {  	_ =	shalt  }
0x4a: {  	_ =	shalt  }
0x4b: {  	_ =	shalt  }
0x4c: {  	_ =	shalt  }
0x4d: {  	_ =	shalt  }
0x4e: {  	_ =	shalt  }
0x4f: {  	_ =	shalt  }
0x50: {  	_ =	shalt  }
0x51: {  	_ =	shalt  }
0x52: {  	_ =	shalt  }
0x53: {  	_ =	shalt  }
0x54: {  	_ =	shalt  }
0x55: {  	_ =	shalt  }
0x56: {  	_ =	shalt  }
0x57: {  	_ =	shalt  }
0x58: {  	_ =	shalt  }
0x59: {  	_ =	shalt  }
0x5a: {  	_ =	shalt  }
0x5b: {  	_ =	shalt  }
0x5c: {  	_ =	shalt  }
0x5d: {  	_ =	shalt  }
0x5e: {  	_ =	shalt  }
0x5f: {  	_ =	shalt  }
0x60: {  	_ =	shalt  }
0x61: {  	_ =	shalt  }
0x62: {  	_ =	shalt  }
0x63: {  	_ =	shalt  }
0x64: {  	_ =	shalt  }
0x65: {  	_ =	shalt  }
0x66: {  	_ =	shalt  }
0x67: {  	_ =	shalt  }
0x68: {  	_ =	shalt  }
0x69: {  	_ =	shalt  }
0x6a: {  	_ =	shalt  }
0x6b: {  	_ =	shalt  }
0x6c: {  	_ =	shalt  }
0x6d: {  	_ =	shalt  }
0x6e: {  	_ =	shalt  }
0x6f: {  	_ =	shalt  }
0x70: {  	_ =	shalt  }
0x71: {  	_ =	shalt  }
0x72: {  	_ =	shalt  }
0x73: {  	_ =	shalt  }
0x74: {  	_ =	shalt  }
0x75: {  	_ =	shalt  }
0x76: {  	_ =	shalt  }
0x77: {  	_ =	shalt  }
0x78: {  	_ =	shalt  }
0x79: {  	_ =	shalt  }
0x7a: {  	_ =	shalt  }
0x7b: {  	_ =	shalt  }
0x7c: {  	_ =	shalt  }
0x7d: {  	_ =	shalt  }
0x7e: {  	_ =	shalt  }
0x7f: {  	_ =	shalt  }
0x80: {  	_ =	shalt  }
0x81: {  	_ =	shalt  }
0x82: {  	_ =	shalt  }
0x83: {  	_ =	shalt  }
0x84: {  	_ =	shalt  }
0x85: {  	_ =	shalt  }
0x86: {  	_ =	shalt  }
0x87: {  	_ =	shalt  }
.Lfunc_end0:
.L_simem_size_0:
called_computation.1_lowered:
.L_overlay_start_0:
0x88: {  	s2 =	sld [smem:$0x3FD9]  }
0x89: {  	s3 =	sld [smem:$0x3FFE];
	_ =	sdelay $0x1  }
0x8a: {  	s1 =	srdreg.scid  }
0x8b: {  	s0 =	sand.u32 $0x1, s1  }
0x8c: {  	s17 =	sshll.u32 s0, $0xA;
	s2 =	sadd.s32 s3, s2  }
0x8d: {  	s2 =	sadd.s32 s2, s17  }
0x8e: {  	[smem:$0x3FC6] =	sst s2  }
0x8f: {  	_ = 	snop  }
0x90: {  	(tm) =	ssettm $0x1  }
0x91: {  	s18 =	sld [smem:$0x3FFB];
	_ =	sdelay $0x3  }
0x92: {  	_ =	strace s18  }
0x93: {  	s2 =	sld [smem:$0x3FFC];
	_ =	sdelay $0x3  }
0x94: {  	_ =	strace s2  }
0x95: {  	s2 =	sld [smem:$0x3FFD];
	_ =	sdelay $0x3  }
0x96: {  	_ =	strace s2  }
0x97: {  	_ =	strace $0x8FFFFFFF  }
0x98: {  	s19 =	sld [smem:$0x3FDB];
	_ =	sdelay $0x1  }
0x99: {  	s20 =	simm.s32 $_scs_section_size  }
0x9a: {  	s4 =	simm.s32 $_size__tile_overlayer_lowered;
	s5 =	simm.s32 $_tile_overlayer_lowered  }
0x9b: {  	s6 =	simm.s32 $0x1BFF;
	s21 =	sshll.u32 s5, $0x1;
	s3 =	sadd.s32 s20, s19  }
0x9c: {  	s22 =	simm.s32 $0x0;
	s4 =	sshll.u32 s4, $0x1;
	s5 =	sadd.s32 s21, s3  }
0x9d: {  	[timem:s22], [sflag:s6] =	dma.local [hbm:s5], s4  }
0x9e: {  	_ =	swait.ge [sflag:s6], s4  }
0x9f: {  	s4 =	ssub.s32 $0x0, s4;
	[sflag:s6] =	ssyncset.done $0x0  }
0xa0: {  	[sflag:s6] =	ssyncadd.s32 s4;
	_ =	sdelay $0x1  }
0xa1: {  	s23 =	simm.s32 $0x1B8B  }
0xa2: {  	_ =	swait.ge [sflag:s23], $0x1  }
0xa3: {  	[sflag:s23] =	ssyncset.done $0x0  }
0xa4: {  	[sflag:s23] =	ssyncadd.s32 $0xFFFFFFFF  }
0xa5: {  	s4 =	sld [smem:$0x0]  }
0xa6: {  	s5 =	sand.u32 $0xFFFFFFFE, s1  }
0xa7: {  	p0 =	sne.s32 s1, s5  }
0xa8: {  	s5 =	sshll.u32 @p0 s5, $0xE  }
0xa9: {  	s5 =	sadd.s32 @p0 $0x11B8D, s5;
	s6 =	sshll.u32 @p0 s4, $0x11  }
0xaa: {  	s5 =	sor.u32 @p0 s6, s5  }
0xab: {  	[sflag:s5] =	ssyncadd.remote.s32 @p0 $0x1;
	_ =	sdelay $0x1  }
0xac: {  	s5 =	simm.s32 @p0 $0x1B8D  }
0xad: {  	_ =	swait.eq @p0 [sflag:s5], $0x1  }
0xae: {  	[sflag:s5] =	ssyncadd.s32 @p0 $0xFFFFFFFF  }
0xaf: {  	s6 =	sshll.u32 @!p0 s1, $0xE  }
0xb0: {  	s6 =	sor.u32 @!p0 $0x4000, s6;
	s5 =	simm.s32 @!p0 $0x1B8D  }
0xb1: {  	s4 =	sshll.u32 @!p0 s4, $0x11;
	s6 =	sadd.s32 @!p0 $0x11B8D, s6;
	_ =	swait.eq @!p0 [sflag:s5], $0x1  }
0xb2: {  	s4 =	sor.u32 @!p0 s4, s6;
	[sflag:s5] =	ssyncadd.s32 @!p0 $0xFFFFFFFF  }
0xb3: {  	s25 =	simm.s32 $0x1B8E;
	s24 =	sld [smem:$0x3FFE];
	[sflag:s4] =	ssyncadd.remote.s32 @!p0 $0x1  }
0xb4: {  	s26 =	simm.s32 $execute0_lowered;
	[smem:$0x3FD2] =	sst s25  }
0xb5: {  	s5 =	sshll.u32 s26, $0x1;
	_ =	strace $0x80000049;
	[dreg:$0x1] =	wrdreg $0xFFFFFFFF  }
0xb6: {  	s28 =	simm.s32 $_size_execute0_lowered;
	s3 =	sadd.s32 s3, s5;
	[dreg:$0x0] =	wrdreg $0x0  }
0xb7: {  	s5 =	sshll.u32 s28, $0x1;
	[dreg:$0x2] =	wrdreg s3  }
0xb8: {  	[dreg:$0x3] =	wrdreg s5  }
0xb9: {  	[dreg:$0x4] =	wrdreg $0xC0  }
0xba: {  	_ =	task [dreg:s22], $0x5FFFF  }
0xbb: {  	[dreg:$0x1] =	wrdreg $0xFFFFFFFF  }
0xbc: {  	[dreg:$0x0] =	wrdreg $0x60  }
0xbd: {  	[dreg:$0x2] =	wrdreg s24  }
0xbe: {  	[dreg:$0x3] =	wrdreg $0x9  }
0xbf: {  	_ =	task.clear_ibuf [dreg:s22], $0x4FFFF;
	_ =	strace $0x90000049  }
0xc0: {  	s29 =	simm.s32 $0x9;
	_ =	strace $0x8000004B  }
0xc1: {  	_ =	swait.ge [sflag:s29], $0x1  }
0xc2: {  	[sflag:s29] =	ssyncadd.s32 $0xFFFFFFFF  }
0xc3: {  	_ =	strace $0x9000004B  }
0xc4: {  	_ =	sfence  }
0xc5: {  	s30 =	sld [smem:$0x0];
	_ =	sdelay $0x2  }
0xc6: {  	s31 =	sshll.u32 s1, $0xD;
	s1 =	sshrl.u32 s1, $0x2  }
0xc7: {  	s4 =	sand.u32 $0x4000, s31;
	s1 =	sadd.s32 s1, s30  }
0xc8: {  	s0 =	sor.u32 s4, s0;
	s1 =	sshll.u32 s1, $0x11  }
0xc9: {  	s0 =	sor.u32 s1, s0  }
0xca: {  	s0 =	sadd.s32 $0x8F2B, s0  }
0xcb: {  	[sflag:s0] =	ssyncadd.remote.s32 $0x1  }
0xcc: {  	_ =	sfence.sel $0xFFFF  }
0xcd: {  	[dreg:$0x0] =	wrdreg $0xFFFFFFFF;
	(pc) =	sbr.abs _section_cstart, $3  }
0xce: {  	[dreg:$0x1] =	wrdreg $0xFFFFFFFF  }
0xcf: {  	_ =	task.clear_ibuf [dreg:s22], $0x2FFFF;
	_ =	strace $0x9FFFFFFF  }
0xd0: {  	(tm) =	ssettm $0x7FFFFFFF  }
0xd1: {  	_ =	shalt  }
tec
execute0_lowered:
.L_overlay_start_1:
0x0: {  	(tag) =	ssettag $0x1  }
0x1: {  	s1 =	srdreg.scid  }
0x2: {  	s0 =	stileid.u32;
	s4 =	rddreg [dreg:$0x0]  }
0x3: {  	s2 =	simm.s32 $0x0;
	s14 =	simm.s32 $0xF200;
	s15 =	simm.s32 $0x1  }
0x4: {  	s16 =	simm.s32 $0x3200;
	s17 =	simm.s32 $0x13200;
	s9 =	smul.u32 $0x190000, s0  }
0x5: {  	s18 =	simm.s32 $0x2;
	s19 =	simm.s32 $0x7200;
	s7 =	smul.u32 $0x64, s0  }
0x6: {  	s20 =	simm.s32 $0x0;
	s8 =	sand.u32 $0x1, s1;
	s28 =	smul.u32 $0x32000, s0  }
0x7: {  	s3 =	sshll.u32 s0, $0x1;
	[smem:$0x7FF] =	sst s2;
	s11 =	smul.u32 $0x32, s8  }
0x8: {  	s3 =	sor.u32 s8, s3;
	s6 =	ssub.s32 $0x2, s8;
	s12 =	smul.u32 $0xC8000, s8  }
0x9: {  	_ =	strace $0x8000004A;
	s29 =	smul.u32 $0x19000, s8;
	s10 =	sshrl.u32 s6, $0x1  }
0xa: {  	s3 =	smul.u32 $0x640, s3;
	s10 =	ssub.s32 s6, s10;
	s6 =	sadd.s32 s11, s7  }
.Ltmp0:
0xb: {  	s8 =	sadd.s32 s12, s9;
	s12 =	simm.s32 $0xD;
	(pc) =	sbr.rel .LBB2_1-.Ltmp0, $4  }
0xc: {  	s5 =	sadd.s32 s3, s4;
	s3 =	sadd.s32 $0xF4FC00, s4;
	s4 =	sadd.s32 $0x33A000, s4  }
0xd: {  	s7 =	smax.u32 s10, $0x1;
	s13 =	sshll.u32 s6, $0xB;
	s5 =	sadd.s32 $0x32D800, s5  }
0xe: {  	s30 =	sadd.s32 s28, s4;
	s31 =	sadd.s32 s13, s4;
	s13 =	simm.s32 $0x100  }
0xf: {  	s9 =	sadd.s32 s29, s30;
	s10 =	sadd.s32 $0x800, s31;
	s11 =	sadd.s32 $0x1000, s31  }
.LBB2_11:
0x10: {  	s20 =	sadd.s32 $0x1, s20  }
0x11: {  	p0 =	sne.s32 s20, s7  }
.Ltmp1:
0x12: {  	_ = 	snop;
	(pc) =	sbr.rel @!p0 .LBB2_12-.Ltmp1, $1  }
0x13: {  	_ =	sdelay $0x3  }
.LBB2_1:
0x14: {  	[tilespmem:s2], [sflag:$0xD] =	stream.linear.gather [hbm4b:s5+s2], $0x3200, $0x38;
	[tilespmem:$0x1B200] =	vst v63  }
.Ltmp2:
0x15: {  	_ = 	snop;
	(pc) =	sbr.rel .LBB2_2-.Ltmp2, $4  }
0x16: {  	s21 =	simm.s32 $0x500  }
0x17: {  	s22 =	simm.s32 $0xFFFFFFFA;
	s23 =	smov.u32 s11;
	_ =	swait.ge [sflag:s12], $0x3200  }
0x18: {  	s24 =	smov.u32 s10;
	s25 =	smov.u32 s9;
	[sflag:s12] =	ssyncset.done $0x0  }
0x19: {  	s26 =	smov.u32 s8;
	s28 =	simm.s32 $0x0;
	[sflag:s12] =	ssyncadd.s32 $0xFFFFCE00  }
.LBB2_7:
0x1a: {  	s1 =	sadd.s32 $0xFFFFFF00, s21  }
0x1b: {  	[tilespmem:s17], [sflag:$0x5] =	stream.indirect.gather [hbm4b:s3+s13], $0x40, s1, s13, $0xb8;
	[tilespmem:$0x1B200] =	vst v63  }
.LBB2_9:
0x1c: {  	_ =	swait.ge [sflag:s18], $0x4000  }
0x1d: {  	[sflag:s18] =	ssyncset.done $0x0  }
0x1e: {  	[sflag:s18] =	ssyncadd.s32 $0xFFFFC000  }
0x1f: {  	[hbm4b:s24+s2] =	stream.linear.scatter [tilespmem:s19], [sflag:$0x8], $0x4000, $0x38;
	[tilespmem:$0x1B200] =	vst v63  }
.LBB2_10:
0x20: {  	s1 =	simm.s32 @p2 $0xC  }
0x21: {  	_ =	swait.ge @p2 [sflag:s1], $0x4000  }
0x22: {  	s29 =	simm.s32 @!p1 $0x17200;
	[sflag:s1] =	ssyncset.done @p2 $0x0  }
0x23: {  	s22 =	sadd.s32 $0x6, s22;
	[sflag:s1] =	ssyncadd.s32 @p2 $0xFFFFC000;
	s1 =	simm.s32 @!p1 $0x100  }
0x24: {  	[tilespmem:s29], [sflag:$0x6] =	stream.indirect.gather @!p1 [hbm4b:s3+s1], $0x40, s21, s1, $0xb8;
	[tilespmem:$0x1B200] =	vst v63  }
0x25: {  	p0 =	sne.s32 s22, $0x36;
	s1 =	simm.s32 @!p1 $0x3  }
.Ltmp3:
0x26: {  	s28 =	sadd.s32 $0x1, s28;
	_ =	swait.ge @!p1 [sflag:s1], $0x4000;
	(pc) =	sbr.rel @!p0 .LBB2_11-.Ltmp3, $4  }
0x27: {  	s26 =	sadd.s32 $0x18000, s26;
	s25 =	sadd.s32 $0x3000, s25;
	[sflag:s1] =	ssyncset.done @!p1 $0x0  }
0x28: {  	s29 =	simm.s32 @!p1 $0xB200;
	[sflag:s1] =	ssyncadd.s32 @!p1 $0xFFFFC000;
	s1 =	simm.s32 @!p1 $0x0  }
0x29: {  	[hbm4b:s23+s1] =	stream.linear.scatter @!p1 [tilespmem:s29], [sflag:$0x9], $0x4000, $0x38;
	[tilespmem:$0x1B200] =	vst v63  }
0x2a: {  	s24 =	sadd.s32 $0x3000, s24;
	s21 =	sadd.s32 $0x600, s21;
	s23 =	sadd.s32 $0x3000, s23  }
.LBB2_2:
0x2b: {  	p3 =	sgt.u32 s22, $0x31  }
0x2c: {  	s29 =	simm.s32 @!p3 $0x7  }
0x2d: {  	p0 =	seq.s32 s22, $0x30;
	_ =	swait.ge @!p3 [sflag:s29], $0x4000  }
0x2e: {  	s30 =	simm.s32 @!p0 $0x100;
	[sflag:s29] =	ssyncset.done @!p3 $0x0  }
0x2f: {  	s31 =	simm.s32 @!p0 $0x3200;
	[sflag:s29] =	ssyncadd.s32 @!p3 $0xFFFFC000;
	s29 =	sadd.s32 @!p0 $0xFFFFFB00, s21  }
0x30: {  	[tilespmem:s31], [sflag:$0x1] =	stream.indirect.gather @!p0 [hbm4b:s3+s30], $0x40, s29, s30, $0xb8;
	[tilespmem:$0x1B200] =	vst v63  }
0x31: {  	s29 =	sadd.s32 @!p0 $0x2, s22  }
0x32: {  	p1 =	sgt.u32 @!p0 s29, $0x31  }
0x33: {  	p2 =	por p1, p0  }
0x34: {  	s29 =	sadd.s32 @!p2 s22, s6  }
0x35: {  	s29 =	sadd.s32 @!p2 $0x3, s29  }
0x36: {  	s31 =	sshra.s32 @!p2 s29, $0x1F  }
0x37: {  	s1 =	sshrl.u32 @!p2 s31, $0x1C  }
0x38: {  	s1 =	sadd.s32 @!p2 s1, s29  }
0x39: {  	s1 =	sshrl.u32 @!p2 s1, $0x4  }
0x3a: {  	s29 =	simm.s32 @!p2 $0x4;
	s1 =	sadd.s32 @!p2 s31, s1;
	s31 =	sadd.s32 @!p2 $0xFFFF4000, s26  }
0x3b: {  	_ =	swait.ge @!p2 [sflag:s29], $0x4000;
	s1 =	sshll.u32 @!p2 s1, $0x12;
	s31 =	sand.u32 @!p2 $0x3C000, s31  }
0x3c: {  	[sflag:s29] =	ssyncset.done @!p2 $0x0;
	s1 =	sor.u32 @!p2 s31, s1  }
0x3d: {  	[sflag:s29] =	ssyncadd.s32 @!p2 $0xFFFFC000;
	s1 =	sshrl.u32 @!p2 s1, $0x3  }
0x3e: {  	s29 =	simm.s32 @!p2 $0x0;
	s31 =	simm.s32 @!p2 $0xF200;
	s1 =	sadd.s32 @!p2 s4, s1  }
0x3f: {  	[hbm4b:s1+s29] =	stream.linear.scatter @!p2 [tilespmem:s31], [sflag:$0xA], $0x4000, $0x38;
	[tilespmem:$0x1B200] =	vst v63  }
0x40: {  	s1 =	simm.s32 @!p3 $0x8  }
0x41: {  	_ =	swait.ge @!p3 [sflag:s1], $0x4000  }
0x42: {  	[sflag:s1] =	ssyncset.done @!p3 $0x0  }
0x43: {  	s29 =	simm.s32 @!p0 $0x7200;
	[sflag:s1] =	ssyncadd.s32 @!p3 $0xFFFFC000;
	s1 =	sadd.s32 @!p0 $0xFFFFFC00, s21  }
0x44: {  	[tilespmem:s29], [sflag:$0x2] =	stream.indirect.gather @!p0 [hbm4b:s3+s30], $0x40, s1, s30, $0xb8;
	[tilespmem:$0x1B200] =	vst v63  }
0x45: {  	s1 =	sadd.s32 @!p0 $0x4, s22  }
0x46: {  	p4 =	sgt.u32 @!p0 s1, $0x31  }
0x47: {  	p5 =	por p4, p0  }
0x48: {  	s1 =	sadd.s32 @!p5 s22, s6  }
0x49: {  	s1 =	sadd.s32 @!p5 $0x4, s1  }
0x4a: {  	s29 =	sand.u32 @!p5 $0xE, s1  }
0x4b: {  	p3 =	slt.s32 @!p5 s1, $0x1;
	p6 =	sne.s32 @!p5 s29, $0x0  }
0x4c: {  	p3 =	por @!p5 !p3, !p6  }
0x4d: {  	p1 =	por !p1, p0;
	p3 =	por @!p5 !p3, !p3  }
0x4e: {  	p2 =	por @!p2 $0x1, $0x1;
	s31 =	simm.s32 @!p5 $0x5;
	p3 =	por @!p0 !p3, p4  }
0x4f: {  	s30 =	simm.s32 @!p5 $0x1;
	_ =	swait.ge @!p5 [sflag:s31], $0x4000;
	p3 =	por !p3, p0  }
0x50: {  	s1 =	sshrl.u32 @!p5 s1, $0x4;
	[sflag:s31] =	ssyncset.done @!p5 $0x0;
	s30 =	simm.s32 @!p3 $0x0  }
0x51: {  	s29 =	sshll.u32 @!p5 s29, $0xE;
	p6 =	por @!p0 $0x0, $0x0;
	s1 =	ssub.s32 @!p5 s1, s30  }
0x52: {  	[sflag:s31] =	ssyncadd.s32 @!p5 $0xFFFFC000;
	p2 =	por @!p1 p6, p6;
	s1 =	sshll.u32 @!p5 s1, $0x12  }
0x53: {  	p1 =	por @!p5 $0x1, $0x1;
	p3 =	por $0x0, $0x0;
	s1 =	sor.u32 @!p5 s29, s1  }
0x54: {  	p3 =	por @!p0 p2, p2;
	s30 =	simm.s32 @!p5 $0x13200;
	s1 =	sshrl.u32 @!p5 s1, $0x3  }
0x55: {  	p2 =	por !p4, p0;
	s29 =	simm.s32 @!p5 $0x0;
	s1 =	sadd.s32 @!p5 s4, s1  }
0x56: {  	[hbm4b:s1+s29] =	stream.linear.scatter @!p5 [tilespmem:s30], [sflag:$0xB], $0x4000, $0x38;
	[tilespmem:$0x1B200] =	vst v63  }
0x57: {  	p1 =	por @!p2 p6, p6;
	p2 =	por $0x0, $0x0;
	s1 =	simm.s32 @p3 $0x9  }
0x58: {  	p2 =	por @!p0 p1, p1;
	p1 =	sgt.u32 s28, $0x7;
	_ =	swait.ge @p3 [sflag:s1], $0x4000  }
0x59: {  	s29 =	simm.s32 @!p1 $0x100;
	[sflag:s1] =	ssyncset.done @p3 $0x0  }
0x5a: {  	s30 =	simm.s32 @!p1 $0xB200;
	[sflag:s1] =	ssyncadd.s32 @p3 $0xFFFFC000;
	s1 =	sadd.s32 @!p1 $0xFFFFFD00, s21  }
0x5b: {  	[tilespmem:s30], [sflag:$0x3] =	stream.indirect.gather @!p1 [hbm4b:s3+s29], $0x40, s1, s29, $0xb8;
	[tilespmem:$0x1B200] =	vst v63  }
0x5c: {  	s1 =	sadd.s32 @p2 s22, s6  }
0x5d: {  	s1 =	sadd.s32 @p2 $0x5, s1  }
0x5e: {  	s29 =	sshra.s32 @p2 s1, $0x1F  }
0x5f: {  	s30 =	sshrl.u32 @p2 s29, $0x1C  }
0x60: {  	s1 =	sadd.s32 @p2 s30, s1  }
0x61: {  	s1 =	sshrl.u32 @p2 s1, $0x4  }
0x62: {  	s30 =	simm.s32 @p2 $0x6;
	s1 =	sadd.s32 @p2 s29, s1;
	s29 =	sadd.s32 @p2 $0xFFFFC000, s26  }
0x63: {  	_ =	swait.ge @p2 [sflag:s30], $0x4000;
	s1 =	sshll.u32 @p2 s1, $0x12;
	s29 =	sand.u32 @p2 $0x3C000, s29  }
0x64: {  	[sflag:s30] =	ssyncset.done @p2 $0x0;
	s1 =	sor.u32 @p2 s29, s1  }
0x65: {  	[sflag:s30] =	ssyncadd.s32 @p2 $0xFFFFC000;
	s1 =	sshrl.u32 @p2 s1, $0x3  }
0x66: {  	s30 =	simm.s32 @p2 $0x17200;
	s29 =	simm.s32 @p2 $0x0;
	s1 =	sadd.s32 @p2 s4, s1  }
0x67: {  	[hbm4b:s1+s29] =	stream.linear.scatter @p2 [tilespmem:s30], [sflag:$0xC], $0x4000, $0x38;
	[tilespmem:$0x1B200] =	vst v63  }
.Ltmp4:
0x68: {  	_ = 	snop;
	(pc) =	sbr.rel @p1 .LBB2_4-.Ltmp4, $4  }
0x69: {  	s1 =	simm.s32 @p3 $0xA  }
0x6a: {  	_ =	swait.ge @p3 [sflag:s1], $0x4000  }
0x6b: {  	[sflag:s1] =	ssyncset.done @p3 $0x0  }
0x6c: {  	[sflag:s1] =	ssyncadd.s32 @p3 $0xFFFFC000  }
.Ltmp5:
0x6d: {  	(pc) =	sbr.rel .LBB2_5-.Ltmp5, $3  }
0x6e: {  	_ =	sdelay $0x1  }
0x6f: {  	s1 =	sadd.s32 $0xFFFFFE00, s21  }
0x70: {  	[tilespmem:s14], [sflag:$0x4] =	stream.indirect.gather [hbm4b:s3+s13], $0x40, s1, s13, $0xb8;
	[tilespmem:$0x1B200] =	vst v63  }
.LBB2_4:
.Ltmp6:
0x71: {  	(pc) =	sbr.rel @p0 .LBB2_6-.Ltmp6, $1  }
0x72: {  	_ =	sdelay $0x3  }
.LBB2_5:
0x73: {  	_ =	swait.ge [sflag:s15], $0x4000  }
0x74: {  	[sflag:s15] =	ssyncset.done $0x0  }
0x75: {  	[sflag:s15] =	ssyncadd.s32 $0xFFFFC000  }
0x76: {  	[hbm4b:s25+s2] =	stream.linear.scatter [tilespmem:s16], [sflag:$0x7], $0x4000, $0x38;
	[tilespmem:$0x1B200] =	vst v63  }
.LBB2_6:
.Ltmp7:
0x77: {  	(pc) =	sbr.rel @!p1 .LBB2_7-.Ltmp7, $4  }
0x78: {  	s1 =	simm.s32 @p2 $0xB  }
0x79: {  	_ =	swait.ge @p2 [sflag:s1], $0x4000  }
0x7a: {  	[sflag:s1] =	ssyncset.done @p2 $0x0  }
0x7b: {  	[sflag:s1] =	ssyncadd.s32 @p2 $0xFFFFC000  }
.Ltmp8:
0x7c: {  	(pc) =	sbr.rel @p0 .LBB2_10-.Ltmp8, $4  }
.Ltmp9:
0x7d: {  	(pc) =	sbr.rel @!p0 .LBB2_9-.Ltmp9, $4  }
0x7e: {  	_ = 	snop  }
0x7f: {  	_ = 	snop  }
0x80: {  	_ = 	snop  }
0x81: {  	_ = 	snop  }
.LBB2_12:
0x82: {  	_ =	sfence.sel $0x180000  }
0x83: {  	[bflag:$0x0] =	sbarrier.arrive $0xFFFF  }
0x84: {  	_ =	strace $0x9000004A  }
0x85: {  	[bflag:$0x2] =	sbarrier.arrive $0xFFFF  }
0x86: {  	p0 =	sne.s32 s0, $0x0;
	s0 =	rddreg [dreg:$0x1]  }
0x87: {  	s0 =	sadd.s32 @!p0 $0x100000, s0  }
0x88: {  	[sflag:s0] =	ssyncadd.tile.s32 @!p0 $0x1;
	_ =	shalt  }
.Lfunc_end2:
_tile_overlayer_lowered:
.L_overlay_start_2:
0x89: {  	(tag) =	ssettag $0x2  }
0x8a: {  	s0 =	rddreg [dreg:$0x0];
	s2 =	stileid.u32  }
0x8b: {  	s1 =	rddreg [dreg:$0x1];
	p0 =	sne.s32 s2, $0x0  }
0x8c: {  	s3 =	rddreg [dreg:$0x2];
	[bflag:$0x3] =	sbarrier.arrive $0xFFFF;
	s2 =	simm.s32 @!p0 $0x1C0D  }
0x8d: {  	[timem:s3], [sflag:s2] =	dma.local @!p0 [hbm:s0], s1  }
0x8e: {  	s0 =	simm.s32 @!p0 $0xD  }
0x8f: {  	_ =	swait.ge @!p0 [sflag:s0], s1  }
0x90: {  	s1 =	ssub.s32 @!p0 $0x0, s1;
	[sflag:s0] =	ssyncset.done @!p0 $0x0  }
0x91: {  	[sflag:s0] =	ssyncadd.s32 @!p0 s1  }
0x92: {  	[bflag:$0x3] =	sbarrier.arrive $0xFFFF  }
0x93: {  	_ =	shalt  }

// kernel: kernel.7.cloned.1.call-start
scs
__scs_entry_jumppad:
0x0: {  	(pc) =	sbr.rel $0x88, $3  }
0x1: {  	(tag) =	ssettag $0x0;
	lr =	simm.s32 $0x1  }
0x2: {  	[smem:$0x3F9F] =	sst lr;
	_ =	strace $0xD0000000  }
0x3: {  	_ = 	snop  }
0x4: {  	_ = 	snop  }
0x5: {  	_ = 	snop  }
0x6: {  	_ = 	snop  }
0x7: {  	_ = 	snop  }
__scs_overlays_trampoline_lowered:
0x8: {  	[smem:$0x3FAE] =	sst s0  }
0x9: {  	[smem:$0x3FAF] =	sst s1  }
0xa: {  	[smem:$0x3FB0] =	sst s2  }
0xb: {  	[smem:$0x3FB1] =	sst s3  }
0xc: {  	[smem:$0x3FB2] =	sst s4  }
0xd: {  	[smem:$0x3FB3] =	sst s5  }
0xe: {  	[smem:$0x3FB4] =	sst s6  }
0xf: {  	[smem:$0x3FB5] =	sst s7  }
0x10: {  	[smem:$0x3FB6] =	sst s8  }
0x11: {  	[smem:$0x3FB7] =	sst s9;
	s0 =	simm.s32 @!p0 $0x0  }
0x12: {  	s1 =	sld [smem:$0x3F9D];
	s0 =	simm.s32 @p0 $0x1  }
0x13: {  	[smem:$0x3FB8] =	sst s0;
	s0 =	simm.s32 @!p1 $0x0  }
0x14: {  	s2 =	sld [smem:$0x3F9C];
	s0 =	simm.s32 @p1 $0x1  }
0x15: {  	[smem:$0x3FB9] =	sst s0;
	s0 =	simm.s32 @!p2 $0x0  }
0x16: {  	s3 =	sld [smem:$0x3FDB];
	s0 =	simm.s32 @p2 $0x1  }
0x17: {  	s4 =	simm.s32 $0x1BF5;
	[smem:$0x3FBB] =	sst s0  }
0x18: {  	s0 =	sld [smem:$0x3F9E];
	_ =	swait.ge [sflag:s4], $0x0  }
0x19: {  	s7 =	sld [smem:$0x3F9F]  }
0x1a: {  	s8 =	sadd.s32 $0xFFFFE003, lr  }
0x1b: {  	s9 =	sadd.s32 $0xFFFFFEF7, lr;
	s5 =	simm.s32 $0xFFFFFFFF;
	p2 =	slt.u32 s8, $0xFFFFF086  }
0x1c: {  	p1 =	slt.u32 s9, $0xF7A;
	s5 =	simm.s32 @!p2 $0x0  }
0x1d: {  	s5 =	simm.s32 @p1 $0x1;
	p0 =	seq.s32 s7, s2  }
0x1e: {  	s7 =	smul.u32 @!p0 $0xF7A, s2;
	p2 =	seq.s32 @!p0 s5, $0x0  }
0x1f: {  	s9 =	smul.u32 $0xF7A, s1;
	s8 =	simm.s32 @!p0 $0x1BF5;
	p2 =	por !p2, p0  }
0x20: {  	[sflag:s8] =	ssyncset.s32 @!p0 $0xFFFFF086;
	s6 =	sadd.s32 @!p0 s3, s7;
	s7 =	simm.s32 @!p0 $0x108  }
0x21: {  	s3 =	sadd.s32 s3, s9;
	s6 =	sadd.s32 @!p0 $0x88, s6;
	s7 =	simm.s32 @p2 $0x1082  }
0x22: {  	[simem:s7], [sflag:s8] =	dma.local @!p0 [hbm:s6], $0xF7A  }
0x23: {  	s9 =	sor.u32 $0xD0000000, s2;
	s6 =	simm.s32 $0x108;
	_ =	swait.ge @!p0 [sflag:s8], $0x0  }
0x24: {  	s3 =	sadd.s32 $0x88, s3;
	s6 =	simm.s32 @!p1 $0x1082;
	[sflag:s4] =	ssyncset.s32 $0xFFFFF086  }
0x25: {  	[simem:s6], [sflag:s4] =	dma.local [hbm:s3], $0xF7A  }
0x26: {  	[smem:$0x3F9F] =	sst s1;
	(tag) =	ssettag s2;
	_ =	strace s9  }
0x27: {  	s1 =	sld [smem:$0x3FAF]  }
0x28: {  	s2 =	sld [smem:$0x3FB0]  }
0x29: {  	s4 =	sld [smem:$0x3FB2]  }
0x2a: {  	p0 =	seq.s32 s5, $0x0;
	s5 =	sld [smem:$0x3FB3]  }
0x2b: {  	s6 =	sld [smem:$0x3FB4]  }
0x2c: {  	s7 =	sld [smem:$0x3FB5]  }
0x2d: {  	s3 =	simm.s32 $0x108;
	s8 =	sld [smem:$0x3FB6]  }
0x2e: {  	s3 =	simm.s32 @!p0 $0x1082;
	s9 =	sld [smem:$0x3FB7]  }
0x2f: {  	lr =	sadd.s32 s0, s3;
	s0 =	sld [smem:$0x3FAE]  }
0x30: {  	s3 =	sld [smem:$0x3FB1]  }
0x31: {  	[smem:$0x3FBA] =	sst s10  }
0x32: {  	s10 =	sld [smem:$0x3FB8];
	_ =	sdelay $0x3  }
0x33: {  	p0 =	seq.s32 s10, $0x1;
	s10 =	sld [smem:$0x3FBA];
	_ =	sdelay $0x3  }
0x34: {  	[smem:$0x3FBA] =	sst s10  }
0x35: {  	s10 =	sld [smem:$0x3FB9];
	_ =	sdelay $0x3  }
0x36: {  	p1 =	seq.s32 s10, $0x1;
	s10 =	sld [smem:$0x3FBA];
	_ =	sdelay $0x3  }
0x37: {  	[smem:$0x3FBA] =	sst s10  }
0x38: {  	s10 =	sld [smem:$0x3FBB]  }
0x39: {  	_ = 	snop;
	(pc) =	sbr.ind lr, $3  }
0x3a: {  	_ = 	snop  }
0x3b: {  	_ = 	snop  }
0x3c: {  	p2 =	seq.s32 s10, $0x1;
	s10 =	sld [smem:$0x3FBA]  }
0x3d: {  	_ =	shalt  }
0x3e: {  	_ =	shalt  }
0x3f: {  	_ =	shalt  }
0x40: {  	_ =	shalt  }
0x41: {  	_ =	shalt  }
0x42: {  	_ =	shalt  }
0x43: {  	_ =	shalt  }
0x44: {  	_ =	shalt  }
0x45: {  	_ =	shalt  }
0x46: {  	_ =	shalt  }
0x47: {  	_ =	shalt  }
0x48: {  	_ =	shalt  }
0x49: {  	_ =	shalt  }
0x4a: {  	_ =	shalt  }
0x4b: {  	_ =	shalt  }
0x4c: {  	_ =	shalt  }
0x4d: {  	_ =	shalt  }
0x4e: {  	_ =	shalt  }
0x4f: {  	_ =	shalt  }
0x50: {  	_ =	shalt  }
0x51: {  	_ =	shalt  }
0x52: {  	_ =	shalt  }
0x53: {  	_ =	shalt  }
0x54: {  	_ =	shalt  }
0x55: {  	_ =	shalt  }
0x56: {  	_ =	shalt  }
0x57: {  	_ =	shalt  }
0x58: {  	_ =	shalt  }
0x59: {  	_ =	shalt  }
0x5a: {  	_ =	shalt  }
0x5b: {  	_ =	shalt  }
0x5c: {  	_ =	shalt  }
0x5d: {  	_ =	shalt  }
0x5e: {  	_ =	shalt  }
0x5f: {  	_ =	shalt  }
0x60: {  	_ =	shalt  }
0x61: {  	_ =	shalt  }
0x62: {  	_ =	shalt  }
0x63: {  	_ =	shalt  }
0x64: {  	_ =	shalt  }
0x65: {  	_ =	shalt  }
0x66: {  	_ =	shalt  }
0x67: {  	_ =	shalt  }
0x68: {  	_ =	shalt  }
0x69: {  	_ =	shalt  }
0x6a: {  	_ =	shalt  }
0x6b: {  	_ =	shalt  }
0x6c: {  	_ =	shalt  }
0x6d: {  	_ =	shalt  }
0x6e: {  	_ =	shalt  }
0x6f: {  	_ =	shalt  }
0x70: {  	_ =	shalt  }
0x71: {  	_ =	shalt  }
0x72: {  	_ =	shalt  }
0x73: {  	_ =	shalt  }
0x74: {  	_ =	shalt  }
0x75: {  	_ =	shalt  }
0x76: {  	_ =	shalt  }
0x77: {  	_ =	shalt  }
0x78: {  	_ =	shalt  }
0x79: {  	_ =	shalt  }
0x7a: {  	_ =	shalt  }
0x7b: {  	_ =	shalt  }
0x7c: {  	_ =	shalt  }
0x7d: {  	_ =	shalt  }
0x7e: {  	_ =	shalt  }
0x7f: {  	_ =	shalt  }
0x80: {  	_ =	shalt  }
0x81: {  	_ =	shalt  }
0x82: {  	_ =	shalt  }
0x83: {  	_ =	shalt  }
0x84: {  	_ =	shalt  }
0x85: {  	_ =	shalt  }
0x86: {  	_ =	shalt  }
0x87: {  	_ =	shalt  }
.Lfunc_end0:
.L_simem_size_0:
called_computation.2_lowered:
.L_overlay_start_0:
0x88: {  	s2 =	sld [smem:$0x3FD9]  }
0x89: {  	s3 =	sld [smem:$0x3FFE];
	_ =	sdelay $0x1  }
0x8a: {  	s1 =	srdreg.scid  }
0x8b: {  	s0 =	sand.u32 $0x1, s1  }
0x8c: {  	s16 =	sshll.u32 s0, $0xA;
	s2 =	sadd.s32 s3, s2  }
0x8d: {  	s2 =	sadd.s32 s2, s16  }
0x8e: {  	[smem:$0x3FC6] =	sst s2  }
0x8f: {  	_ = 	snop  }
0x90: {  	(tm) =	ssettm $0x1  }
0x91: {  	s17 =	sld [smem:$0x3FFB];
	_ =	sdelay $0x3  }
0x92: {  	_ =	strace s17  }
0x93: {  	s2 =	sld [smem:$0x3FFC];
	_ =	sdelay $0x3  }
0x94: {  	_ =	strace s2  }
0x95: {  	s2 =	sld [smem:$0x3FFD];
	_ =	sdelay $0x3  }
0x96: {  	_ =	strace s2  }
0x97: {  	_ =	strace $0x8FFFFFFF  }
0x98: {  	s18 =	sld [smem:$0x3FDB];
	_ =	sdelay $0x1  }
0x99: {  	s19 =	simm.s32 $_scs_section_size  }
0x9a: {  	s4 =	simm.s32 $_size__tile_overlayer_lowered;
	s5 =	simm.s32 $_tile_overlayer_lowered  }
0x9b: {  	s22 =	simm.s32 $0x1BFF;
	s21 =	sshll.u32 s5, $0x1;
	s2 =	sadd.s32 s19, s18  }
0x9c: {  	s6 =	simm.s32 $0x0;
	s20 =	sshll.u32 s4, $0x1;
	s4 =	sadd.s32 s21, s2  }
0x9d: {  	[timem:s6], [sflag:s22] =	dma.local [hbm:s4], s20  }
0x9e: {  	_ =	swait.ge [sflag:s22], s20  }
0x9f: {  	s3 =	ssub.s32 $0x0, s20;
	[sflag:s22] =	ssyncset.done $0x0  }
0xa0: {  	[sflag:s22] =	ssyncadd.s32 s3;
	_ =	sdelay $0x1  }
0xa1: {  	s23 =	simm.s32 $0x1B8B  }
0xa2: {  	_ =	swait.ge [sflag:s23], $0x1  }
0xa3: {  	[sflag:s23] =	ssyncset.done $0x0  }
0xa4: {  	s25 =	simm.s32 $0x1B8E;
	s24 =	sld [smem:$0x3FFE];
	[sflag:s23] =	ssyncadd.s32 $0xFFFFFFFF  }
0xa5: {  	s26 =	simm.s32 $execute0_lowered;
	[smem:$0x3FD2] =	sst s25  }
0xa6: {  	s4 =	sshll.u32 s26, $0x1;
	_ =	strace $0x80000046;
	[dreg:$0x1] =	wrdreg $0xFFFFFFFF  }
0xa7: {  	s28 =	simm.s32 $_size_execute0_lowered;
	s2 =	sadd.s32 s2, s4;
	[dreg:$0x0] =	wrdreg $0x0  }
0xa8: {  	s4 =	sshll.u32 s28, $0x1;
	[dreg:$0x2] =	wrdreg s2  }
0xa9: {  	[dreg:$0x3] =	wrdreg s4  }
0xaa: {  	[dreg:$0x4] =	wrdreg $0xC0  }
0xab: {  	_ =	task [dreg:s6], $0x5FFFF  }
0xac: {  	[dreg:$0x1] =	wrdreg $0xFFFFFFFF  }
0xad: {  	[dreg:$0x0] =	wrdreg $0x60  }
0xae: {  	[dreg:$0x2] =	wrdreg s24  }
0xaf: {  	[dreg:$0x3] =	wrdreg $0xA  }
0xb0: {  	_ =	task.clear_ibuf [dreg:s6], $0x4FFFF;
	_ =	strace $0x90000046  }
0xb1: {  	s29 =	simm.s32 $0xA;
	_ =	strace $0x80000048  }
0xb2: {  	_ =	swait.ge [sflag:s29], $0x1  }
0xb3: {  	[sflag:s29] =	ssyncadd.s32 $0xFFFFFFFF  }
0xb4: {  	_ =	strace $0x90000048  }
0xb5: {  	_ =	sfence  }
0xb6: {  	s30 =	sld [smem:$0x0];
	_ =	sdelay $0x2  }
0xb7: {  	s31 =	sshll.u32 s1, $0xD;
	s1 =	sshrl.u32 s1, $0x2  }
0xb8: {  	s3 =	sand.u32 $0x4000, s31;
	s1 =	sadd.s32 s1, s30  }
0xb9: {  	s0 =	sor.u32 s3, s0;
	s1 =	sshll.u32 s1, $0x11  }
0xba: {  	s0 =	sor.u32 s1, s0  }
0xbb: {  	s0 =	sadd.s32 $0x8F2B, s0  }
0xbc: {  	[sflag:s0] =	ssyncadd.remote.s32 $0x1  }
0xbd: {  	_ =	sfence.sel $0xFFFF  }
0xbe: {  	[dreg:$0x0] =	wrdreg $0xFFFFFFFF;
	(pc) =	sbr.abs _section_cstart, $3  }
0xbf: {  	[dreg:$0x1] =	wrdreg $0xFFFFFFFF  }
0xc0: {  	_ =	task.clear_ibuf [dreg:s6], $0x2FFFF;
	_ =	strace $0x9FFFFFFF  }
0xc1: {  	(tm) =	ssettm $0x7FFFFFFF  }
tec
execute0_lowered:
.L_overlay_start_1:
0x0: {  	(tag) =	ssettag $0x1  }
0x1: {  	s1 =	srdreg.scid  }
0x2: {  	s0 =	stileid.u32;
	s4 =	rddreg [dreg:$0x0]  }
0x3: {  	s2 =	simm.s32 $0x0;
	s14 =	simm.s32 $0xF200;
	s15 =	simm.s32 $0x1  }
0x4: {  	s16 =	simm.s32 $0x3200;
	s17 =	simm.s32 $0x13200;
	s9 =	smul.u32 $0x190000, s0  }
0x5: {  	s18 =	simm.s32 $0x2;
	s19 =	simm.s32 $0x7200;
	s7 =	smul.u32 $0x64, s0  }
0x6: {  	s20 =	simm.s32 $0x0;
	s8 =	sand.u32 $0x1, s1;
	s28 =	smul.u32 $0x32000, s0  }
0x7: {  	s3 =	sshll.u32 s0, $0x1;
	[smem:$0x7FF] =	sst s2;
	s11 =	smul.u32 $0x32, s8  }
0x8: {  	s3 =	sor.u32 s8, s3;
	s6 =	ssub.s32 $0x2, s8;
	s12 =	smul.u32 $0xC8000, s8  }
0x9: {  	_ =	strace $0x80000047;
	s29 =	smul.u32 $0x19000, s8;
	s10 =	sshrl.u32 s6, $0x1  }
0xa: {  	s3 =	smul.u32 $0x640, s3;
	s10 =	ssub.s32 s6, s10;
	s6 =	sadd.s32 s11, s7  }
.Ltmp0:
0xb: {  	s8 =	sadd.s32 s12, s9;
	s12 =	simm.s32 $0xD;
	(pc) =	sbr.rel .LBB2_1-.Ltmp0, $4  }
0xc: {  	s5 =	sadd.s32 s3, s4;
	s3 =	sadd.s32 $0xF4FC00, s4;
	s4 =	sadd.s32 $0xD800, s4  }
0xd: {  	s7 =	smax.u32 s10, $0x1;
	s13 =	sshll.u32 s6, $0xB;
	s5 =	sadd.s32 $0x1000, s5  }
0xe: {  	s30 =	sadd.s32 s28, s4;
	s31 =	sadd.s32 s13, s4;
	s13 =	simm.s32 $0x100  }
0xf: {  	s9 =	sadd.s32 s29, s30;
	s10 =	sadd.s32 $0x800, s31;
	s11 =	sadd.s32 $0x1000, s31  }
.LBB2_11:
0x10: {  	s20 =	sadd.s32 $0x1, s20  }
0x11: {  	p0 =	sne.s32 s20, s7  }
.Ltmp1:
0x12: {  	_ = 	snop;
	(pc) =	sbr.rel @!p0 .LBB2_12-.Ltmp1, $1  }
0x13: {  	_ =	sdelay $0x3  }
.LBB2_1:
0x14: {  	[tilespmem:s2], [sflag:$0xD] =	stream.linear.gather [hbm4b:s5+s2], $0x3200, $0x38;
	[tilespmem:$0x1B200] =	vst v63  }
.Ltmp2:
0x15: {  	_ = 	snop;
	(pc) =	sbr.rel .LBB2_2-.Ltmp2, $4  }
0x16: {  	s21 =	simm.s32 $0x500  }
0x17: {  	s22 =	simm.s32 $0xFFFFFFFA;
	s23 =	smov.u32 s11;
	_ =	swait.ge [sflag:s12], $0x3200  }
0x18: {  	s24 =	smov.u32 s10;
	s25 =	smov.u32 s9;
	[sflag:s12] =	ssyncset.done $0x0  }
0x19: {  	s26 =	smov.u32 s8;
	s28 =	simm.s32 $0x0;
	[sflag:s12] =	ssyncadd.s32 $0xFFFFCE00  }
.LBB2_7:
0x1a: {  	s1 =	sadd.s32 $0xFFFFFF00, s21  }
0x1b: {  	[tilespmem:s17], [sflag:$0x5] =	stream.indirect.gather [hbm4b:s3+s13], $0x40, s1, s13, $0xb8;
	[tilespmem:$0x1B200] =	vst v63  }
.LBB2_9:
0x1c: {  	_ =	swait.ge [sflag:s18], $0x4000  }
0x1d: {  	[sflag:s18] =	ssyncset.done $0x0  }
0x1e: {  	[sflag:s18] =	ssyncadd.s32 $0xFFFFC000  }
0x1f: {  	[hbm4b:s24+s2] =	stream.linear.scatter [tilespmem:s19], [sflag:$0x8], $0x4000, $0x38;
	[tilespmem:$0x1B200] =	vst v63  }
.LBB2_10:
0x20: {  	s1 =	simm.s32 @p2 $0xC  }
0x21: {  	_ =	swait.ge @p2 [sflag:s1], $0x4000  }
0x22: {  	s29 =	simm.s32 @!p1 $0x17200;
	[sflag:s1] =	ssyncset.done @p2 $0x0  }
0x23: {  	s22 =	sadd.s32 $0x6, s22;
	[sflag:s1] =	ssyncadd.s32 @p2 $0xFFFFC000;
	s1 =	simm.s32 @!p1 $0x100  }
0x24: {  	[tilespmem:s29], [sflag:$0x6] =	stream.indirect.gather @!p1 [hbm4b:s3+s1], $0x40, s21, s1, $0xb8;
	[tilespmem:$0x1B200] =	vst v63  }
0x25: {  	p0 =	sne.s32 s22, $0x36;
	s1 =	simm.s32 @!p1 $0x3  }
.Ltmp3:
0x26: {  	s28 =	sadd.s32 $0x1, s28;
	_ =	swait.ge @!p1 [sflag:s1], $0x4000;
	(pc) =	sbr.rel @!p0 .LBB2_11-.Ltmp3, $4  }
0x27: {  	s26 =	sadd.s32 $0x18000, s26;
	s25 =	sadd.s32 $0x3000, s25;
	[sflag:s1] =	ssyncset.done @!p1 $0x0  }
0x28: {  	s29 =	simm.s32 @!p1 $0xB200;
	[sflag:s1] =	ssyncadd.s32 @!p1 $0xFFFFC000;
	s1 =	simm.s32 @!p1 $0x0  }
0x29: {  	[hbm4b:s23+s1] =	stream.linear.scatter @!p1 [tilespmem:s29], [sflag:$0x9], $0x4000, $0x38;
	[tilespmem:$0x1B200] =	vst v63  }
0x2a: {  	s24 =	sadd.s32 $0x3000, s24;
	s21 =	sadd.s32 $0x600, s21;
	s23 =	sadd.s32 $0x3000, s23  }
.LBB2_2:
0x2b: {  	p3 =	sgt.u32 s22, $0x31  }
0x2c: {  	s29 =	simm.s32 @!p3 $0x7  }
0x2d: {  	p0 =	seq.s32 s22, $0x30;
	_ =	swait.ge @!p3 [sflag:s29], $0x4000  }
0x2e: {  	s30 =	simm.s32 @!p0 $0x100;
	[sflag:s29] =	ssyncset.done @!p3 $0x0  }
0x2f: {  	s31 =	simm.s32 @!p0 $0x3200;
	[sflag:s29] =	ssyncadd.s32 @!p3 $0xFFFFC000;
	s29 =	sadd.s32 @!p0 $0xFFFFFB00, s21  }
0x30: {  	[tilespmem:s31], [sflag:$0x1] =	stream.indirect.gather @!p0 [hbm4b:s3+s30], $0x40, s29, s30, $0xb8;
	[tilespmem:$0x1B200] =	vst v63  }
0x31: {  	s29 =	sadd.s32 @!p0 $0x2, s22  }
0x32: {  	p1 =	sgt.u32 @!p0 s29, $0x31  }
0x33: {  	p2 =	por p1, p0  }
0x34: {  	s29 =	sadd.s32 @!p2 s22, s6  }
0x35: {  	s29 =	sadd.s32 @!p2 $0x3, s29  }
0x36: {  	s31 =	sshra.s32 @!p2 s29, $0x1F  }
0x37: {  	s1 =	sshrl.u32 @!p2 s31, $0x1C  }
0x38: {  	s1 =	sadd.s32 @!p2 s1, s29  }
0x39: {  	s1 =	sshrl.u32 @!p2 s1, $0x4  }
0x3a: {  	s29 =	simm.s32 @!p2 $0x4;
	s1 =	sadd.s32 @!p2 s31, s1;
	s31 =	sadd.s32 @!p2 $0xFFFF4000, s26  }
0x3b: {  	_ =	swait.ge @!p2 [sflag:s29], $0x4000;
	s1 =	sshll.u32 @!p2 s1, $0x12;
	s31 =	sand.u32 @!p2 $0x3C000, s31  }
0x3c: {  	[sflag:s29] =	ssyncset.done @!p2 $0x0;
	s1 =	sor.u32 @!p2 s31, s1  }
0x3d: {  	[sflag:s29] =	ssyncadd.s32 @!p2 $0xFFFFC000;
	s1 =	sshrl.u32 @!p2 s1, $0x3  }
0x3e: {  	s29 =	simm.s32 @!p2 $0x0;
	s31 =	simm.s32 @!p2 $0xF200;
	s1 =	sadd.s32 @!p2 s4, s1  }
0x3f: {  	[hbm4b:s1+s29] =	stream.linear.scatter @!p2 [tilespmem:s31], [sflag:$0xA], $0x4000, $0x38;
	[tilespmem:$0x1B200] =	vst v63  }
0x40: {  	s1 =	simm.s32 @!p3 $0x8  }
0x41: {  	_ =	swait.ge @!p3 [sflag:s1], $0x4000  }
0x42: {  	[sflag:s1] =	ssyncset.done @!p3 $0x0  }
0x43: {  	s29 =	simm.s32 @!p0 $0x7200;
	[sflag:s1] =	ssyncadd.s32 @!p3 $0xFFFFC000;
	s1 =	sadd.s32 @!p0 $0xFFFFFC00, s21  }
0x44: {  	[tilespmem:s29], [sflag:$0x2] =	stream.indirect.gather @!p0 [hbm4b:s3+s30], $0x40, s1, s30, $0xb8;
	[tilespmem:$0x1B200] =	vst v63  }
0x45: {  	s1 =	sadd.s32 @!p0 $0x4, s22  }
0x46: {  	p4 =	sgt.u32 @!p0 s1, $0x31  }
0x47: {  	p5 =	por p4, p0  }
0x48: {  	s1 =	sadd.s32 @!p5 s22, s6  }
0x49: {  	s1 =	sadd.s32 @!p5 $0x4, s1  }
0x4a: {  	s29 =	sand.u32 @!p5 $0xE, s1  }
0x4b: {  	p3 =	slt.s32 @!p5 s1, $0x1;
	p6 =	sne.s32 @!p5 s29, $0x0  }
0x4c: {  	p3 =	por @!p5 !p3, !p6  }
0x4d: {  	p1 =	por !p1, p0;
	p3 =	por @!p5 !p3, !p3  }
0x4e: {  	p2 =	por @!p2 $0x1, $0x1;
	s31 =	simm.s32 @!p5 $0x5;
	p3 =	por @!p0 !p3, p4  }
0x4f: {  	s30 =	simm.s32 @!p5 $0x1;
	_ =	swait.ge @!p5 [sflag:s31], $0x4000;
	p3 =	por !p3, p0  }
0x50: {  	s1 =	sshrl.u32 @!p5 s1, $0x4;
	[sflag:s31] =	ssyncset.done @!p5 $0x0;
	s30 =	simm.s32 @!p3 $0x0  }
0x51: {  	s29 =	sshll.u32 @!p5 s29, $0xE;
	p6 =	por @!p0 $0x0, $0x0;
	s1 =	ssub.s32 @!p5 s1, s30  }
0x52: {  	[sflag:s31] =	ssyncadd.s32 @!p5 $0xFFFFC000;
	p2 =	por @!p1 p6, p6;
	s1 =	sshll.u32 @!p5 s1, $0x12  }
0x53: {  	p1 =	por @!p5 $0x1, $0x1;
	p3 =	por $0x0, $0x0;
	s1 =	sor.u32 @!p5 s29, s1  }
0x54: {  	p3 =	por @!p0 p2, p2;
	s30 =	simm.s32 @!p5 $0x13200;
	s1 =	sshrl.u32 @!p5 s1, $0x3  }
0x55: {  	p2 =	por !p4, p0;
	s29 =	simm.s32 @!p5 $0x0;
	s1 =	sadd.s32 @!p5 s4, s1  }
0x56: {  	[hbm4b:s1+s29] =	stream.linear.scatter @!p5 [tilespmem:s30], [sflag:$0xB], $0x4000, $0x38;
	[tilespmem:$0x1B200] =	vst v63  }
0x57: {  	p1 =	por @!p2 p6, p6;
	p2 =	por $0x0, $0x0;
	s1 =	simm.s32 @p3 $0x9  }
0x58: {  	p2 =	por @!p0 p1, p1;
	p1 =	sgt.u32 s28, $0x7;
	_ =	swait.ge @p3 [sflag:s1], $0x4000  }
0x59: {  	s29 =	simm.s32 @!p1 $0x100;
	[sflag:s1] =	ssyncset.done @p3 $0x0  }
0x5a: {  	s30 =	simm.s32 @!p1 $0xB200;
	[sflag:s1] =	ssyncadd.s32 @p3 $0xFFFFC000;
	s1 =	sadd.s32 @!p1 $0xFFFFFD00, s21  }
0x5b: {  	[tilespmem:s30], [sflag:$0x3] =	stream.indirect.gather @!p1 [hbm4b:s3+s29], $0x40, s1, s29, $0xb8;
	[tilespmem:$0x1B200] =	vst v63  }
0x5c: {  	s1 =	sadd.s32 @p2 s22, s6  }
0x5d: {  	s1 =	sadd.s32 @p2 $0x5, s1  }
0x5e: {  	s29 =	sshra.s32 @p2 s1, $0x1F  }
0x5f: {  	s30 =	sshrl.u32 @p2 s29, $0x1C  }
0x60: {  	s1 =	sadd.s32 @p2 s30, s1  }
0x61: {  	s1 =	sshrl.u32 @p2 s1, $0x4  }
0x62: {  	s30 =	simm.s32 @p2 $0x6;
	s1 =	sadd.s32 @p2 s29, s1;
	s29 =	sadd.s32 @p2 $0xFFFFC000, s26  }
0x63: {  	_ =	swait.ge @p2 [sflag:s30], $0x4000;
	s1 =	sshll.u32 @p2 s1, $0x12;
	s29 =	sand.u32 @p2 $0x3C000, s29  }
0x64: {  	[sflag:s30] =	ssyncset.done @p2 $0x0;
	s1 =	sor.u32 @p2 s29, s1  }
0x65: {  	[sflag:s30] =	ssyncadd.s32 @p2 $0xFFFFC000;
	s1 =	sshrl.u32 @p2 s1, $0x3  }
0x66: {  	s30 =	simm.s32 @p2 $0x17200;
	s29 =	simm.s32 @p2 $0x0;
	s1 =	sadd.s32 @p2 s4, s1  }
0x67: {  	[hbm4b:s1+s29] =	stream.linear.scatter @p2 [tilespmem:s30], [sflag:$0xC], $0x4000, $0x38;
	[tilespmem:$0x1B200] =	vst v63  }
.Ltmp4:
0x68: {  	_ = 	snop;
	(pc) =	sbr.rel @p1 .LBB2_4-.Ltmp4, $4  }
0x69: {  	s1 =	simm.s32 @p3 $0xA  }
0x6a: {  	_ =	swait.ge @p3 [sflag:s1], $0x4000  }
0x6b: {  	[sflag:s1] =	ssyncset.done @p3 $0x0  }
0x6c: {  	[sflag:s1] =	ssyncadd.s32 @p3 $0xFFFFC000  }
.Ltmp5:
0x6d: {  	(pc) =	sbr.rel .LBB2_5-.Ltmp5, $3  }
0x6e: {  	_ =	sdelay $0x1  }
0x6f: {  	s1 =	sadd.s32 $0xFFFFFE00, s21  }
0x70: {  	[tilespmem:s14], [sflag:$0x4] =	stream.indirect.gather [hbm4b:s3+s13], $0x40, s1, s13, $0xb8;
	[tilespmem:$0x1B200] =	vst v63  }
.LBB2_4:
.Ltmp6:
0x71: {  	(pc) =	sbr.rel @p0 .LBB2_6-.Ltmp6, $1  }
0x72: {  	_ =	sdelay $0x3  }
.LBB2_5:
0x73: {  	_ =	swait.ge [sflag:s15], $0x4000  }
0x74: {  	[sflag:s15] =	ssyncset.done $0x0  }
0x75: {  	[sflag:s15] =	ssyncadd.s32 $0xFFFFC000  }
0x76: {  	[hbm4b:s25+s2] =	stream.linear.scatter [tilespmem:s16], [sflag:$0x7], $0x4000, $0x38;
	[tilespmem:$0x1B200] =	vst v63  }
.LBB2_6:
.Ltmp7:
0x77: {  	(pc) =	sbr.rel @!p1 .LBB2_7-.Ltmp7, $4  }
0x78: {  	s1 =	simm.s32 @p2 $0xB  }
0x79: {  	_ =	swait.ge @p2 [sflag:s1], $0x4000  }
0x7a: {  	[sflag:s1] =	ssyncset.done @p2 $0x0  }
0x7b: {  	[sflag:s1] =	ssyncadd.s32 @p2 $0xFFFFC000  }
.Ltmp8:
0x7c: {  	(pc) =	sbr.rel @p0 .LBB2_10-.Ltmp8, $4  }
.Ltmp9:
0x7d: {  	(pc) =	sbr.rel @!p0 .LBB2_9-.Ltmp9, $4  }
0x7e: {  	_ = 	snop  }
0x7f: {  	_ = 	snop  }
0x80: {  	_ = 	snop  }
0x81: {  	_ = 	snop  }
.LBB2_12:
0x82: {  	_ =	sfence.sel $0x180000  }
0x83: {  	[bflag:$0x0] =	sbarrier.arrive $0xFFFF  }
0x84: {  	_ =	strace $0x90000047  }
0x85: {  	[bflag:$0x2] =	sbarrier.arrive $0xFFFF  }
0x86: {  	p0 =	sne.s32 s0, $0x0;
	s0 =	rddreg [dreg:$0x1]  }
0x87: {  	s0 =	sadd.s32 @!p0 $0x100000, s0  }
0x88: {  	[sflag:s0] =	ssyncadd.tile.s32 @!p0 $0x1;
	_ =	shalt  }
.Lfunc_end2:
_tile_overlayer_lowered:
.L_overlay_start_2:
0x89: {  	(tag) =	ssettag $0x2  }
0x8a: {  	s0 =	rddreg [dreg:$0x0];
	s2 =	stileid.u32  }
0x8b: {  	s1 =	rddreg [dreg:$0x1];
	p0 =	sne.s32 s2, $0x0  }
0x8c: {  	s3 =	rddreg [dreg:$0x2];
	[bflag:$0x3] =	sbarrier.arrive $0xFFFF;
	s2 =	simm.s32 @!p0 $0x1C0D  }
0x8d: {  	[timem:s3], [sflag:s2] =	dma.local @!p0 [hbm:s0], s1  }
0x8e: {  	s0 =	simm.s32 @!p0 $0xD  }
0x8f: {  	_ =	swait.ge @!p0 [sflag:s0], s1  }
0x90: {  	s1 =	ssub.s32 @!p0 $0x0, s1;
	[sflag:s0] =	ssyncset.done @!p0 $0x0  }
0x91: {  	[sflag:s0] =	ssyncadd.s32 @!p0 s1  }
0x92: {  	[bflag:$0x3] =	sbarrier.arrive $0xFFFF  }
0x93: {  	_ =	shalt  }

// kernel: sparse-core-data-format-call.cloned.1.call-start
scs
called_computation_lowered:
.L_overlay_start_0:
0x0: {  	s2 =	sld [smem:$0x3FD9]  }
0x1: {  	s3 =	sld [smem:$0x3FFE];
	_ =	sdelay $0x1  }
0x2: {  	s1 =	srdreg.scid  }
0x3: {  	s0 =	sand.u32 $0x1, s1  }
0x4: {  	s18 =	sshll.u32 s0, $0xA;
	s2 =	sadd.s32 s3, s2  }
0x5: {  	s2 =	sadd.s32 s2, s18  }
0x6: {  	[smem:$0x3FC6] =	sst s2  }
0x7: {  	_ = 	snop  }
0x8: {  	s2 =	sld [smem:$0x3FD0];
	(tm) =	ssettm $0x1  }
0x9: {  	s19 =	sld [smem:$0x3FFB];
	_ =	sdelay $0x3  }
0xa: {  	_ =	strace s19  }
0xb: {  	s3 =	sld [smem:$0x3FFC];
	_ =	sdelay $0x3  }
0xc: {  	_ =	strace s3  }
0xd: {  	s3 =	sld [smem:$0x3FFD];
	_ =	sdelay $0x3  }
0xe: {  	_ =	strace s3  }
0xf: {  	_ =	strace $0x8FFFFFFF  }
0x10: {  	s20 =	sld [smem:$0x3FDB];
	_ =	sdelay $0x1  }
0x11: {  	s4 =	simm.s32 $_scs_section_size  }
0x12: {  	s5 =	simm.s32 $_size__tile_overlayer_lowered;
	s6 =	simm.s32 $_tile_overlayer_lowered  }
0x13: {  	s23 =	simm.s32 $0x1BFF;
	s22 =	sshll.u32 s6, $0x1;
	s3 =	sadd.s32 s4, s20  }
0x14: {  	s7 =	simm.s32 $0x0;
	s21 =	sshll.u32 s5, $0x1;
	s5 =	sadd.s32 s22, s3  }
0x15: {  	[timem:s7], [sflag:s23] =	dma.local [hbm:s5], s21  }
0x16: {  	_ =	swait.ge [sflag:s23], s21  }
0x17: {  	s4 =	ssub.s32 $0x0, s21;
	[sflag:s23] =	ssyncset.done $0x0  }
0x18: {  	[sflag:s23] =	ssyncadd.s32 s4;
	_ =	sdelay $0x1  }
0x19: {  	s24 =	simm.s32 $0x1B8B  }
0x1a: {  	_ =	swait.ge [sflag:s24], $0x1  }
0x1b: {  	[sflag:s24] =	ssyncset.done $0x0  }
0x1c: {  	s26 =	simm.s32 $0x1B8E;
	s25 =	sld [smem:$0x3FFE];
	[sflag:s24] =	ssyncadd.s32 $0xFFFFFFFF  }
0x1d: {  	s27 =	simm.s32 $execute0_lowered;
	[smem:$0x3FD2] =	sst s26  }
0x1e: {  	s5 =	sshll.u32 s27, $0x1;
	_ =	strace $0x8000004C;
	[dreg:$0x1] =	wrdreg $0xFFFFFFFF  }
0x1f: {  	s28 =	simm.s32 $_size_execute0_lowered;
	s3 =	sadd.s32 s3, s5;
	[dreg:$0x0] =	wrdreg $0x0  }
0x20: {  	s5 =	sshll.u32 s28, $0x1;
	[dreg:$0x2] =	wrdreg s3  }
0x21: {  	[dreg:$0x3] =	wrdreg s5  }
0x22: {  	[dreg:$0x4] =	wrdreg $0xC0  }
0x23: {  	_ =	task [dreg:s7], $0x5FFFF  }
0x24: {  	[dreg:$0x1] =	wrdreg $0xFFFFFFFF  }
0x25: {  	[dreg:$0x0] =	wrdreg $0x60  }
0x26: {  	[dreg:$0x2] =	wrdreg s25  }
0x27: {  	[dreg:$0x3] =	wrdreg s2  }
0x28: {  	[dreg:$0x4] =	wrdreg $0x9  }
0x29: {  	_ =	task.clear_ibuf [dreg:s7], $0x5FFFF;
	_ =	strace $0x9000004C  }
0x2a: {  	s29 =	simm.s32 $0x9;
	_ =	strace $0x8000004E  }
0x2b: {  	_ =	swait.ge [sflag:s29], $0x1  }
0x2c: {  	[sflag:s29] =	ssyncadd.s32 $0xFFFFFFFF  }
0x2d: {  	_ =	strace $0x9000004E  }
0x2e: {  	_ =	sfence  }
0x2f: {  	s30 =	sld [smem:$0x0];
	_ =	sdelay $0x2  }
0x30: {  	s31 =	sshll.u32 s1, $0xD;
	s1 =	sshrl.u32 s1, $0x2  }
0x31: {  	s3 =	sand.u32 $0x4000, s31;
	s1 =	sadd.s32 s1, s30  }
0x32: {  	s0 =	sor.u32 s3, s0;
	s1 =	sshll.u32 s1, $0x11  }
0x33: {  	s0 =	sor.u32 s1, s0  }
0x34: {  	s0 =	sadd.s32 $0x8F2B, s0  }
0x35: {  	[sflag:s0] =	ssyncadd.remote.s32 $0x1  }
0x36: {  	_ =	sfence.sel $0xFFFF  }
0x37: {  	[dreg:$0x0] =	wrdreg $0xFFFFFFFF;
	(pc) =	sbr.abs _section_cstart, $3  }
0x38: {  	[dreg:$0x1] =	wrdreg $0xFFFFFFFF  }
0x39: {  	_ =	task.clear_ibuf [dreg:s7], $0x2FFFF;
	_ =	strace $0x9FFFFFFF  }
0x3a: {  	(tm) =	ssettm $0x7FFFFFFF  }
0x3b: {  	_ =	shalt  }
tec
execute0_lowered:
.L_overlay_start_1:
0x0: {  	(tag) =	ssettag $0x1  }
0x1: {  	s0 =	srdreg.scid  }
0x2: {  	s1 =	sshll.u32 s0, $0x4  }
0x3: {  	s5 =	rddreg [dreg:$0x0];
	s0 =	stileid.u32;
	s1 =	sand.u32 $0x10, s1  }
0x4: {  	s3 =	rddreg [dreg:$0x1];
	s31 =	simm.s32 $0x2;
	s4 =	sor.u32 s0, s1  }
0x5: {  	s13 =	simm.s32 $0x0;
	s9 =	simm.s32 $0x400;
	s2 =	sshll.u32 s4, $0x7  }
0x6: {  	s10 =	simm.s32 $0x8000;
	s14 =	simm.s32 $0x0;
	s6 =	ssub.s32 $0x1000, s2  }
0x7: {  	s1 =	rddreg [dreg:$0x2];
	_ =	strace $0x8000004D;
	s7 =	sand.u32 $0xF80, s6  }
0x8: {  	s4 =	sshll.u32 s4, $0xB;
	p0 =	sne.s32 s7, $0x0;
	s7 =	simm.s32 $0x1  }
.Ltmp0:
0x9: {  	s6 =	sshrl.u32 s6, $0xC;
	s7 =	simm.s32 @!p0 $0x0;
	(pc) =	sbr.rel .LBB1_1-.Ltmp0, $4  }
0xa: {  	s8 =	sadd.s32 s4, s5;
	s4 =	simm.s32 $0x1;
	s30 =	sadd.s32 s7, s6  }
0xb: {  	s11 =	simm.s32 $0x0;
	[sflag:s4] =	ssyncpa.u1 $0x0;
	s5 =	smul.u32 $0x64, s30  }
0xc: {  	s12 =	simm.s32 $0x0;
	[sflag:s31] =	ssyncpa.u1 $0x0;
	p0 =	por $0x0, $0x0  }
0xd: {  	s6 =	sadd.s32 $0xC9A000, s8;
	s7 =	sadd.s32 $0xCAA000, s8;
	s8 =	sor.u32 $0x1, s5  }
.LBB1_7:
0xe: {  	s15 =	sadd.s32 $0x2, s11  }
0xf: {  	p2 =	sgt.s32 s15, $0xC7  }
0x10: {  	s15 =	simm.s32 @p2 $0x0;
	p2 =	sne.s32 s12, s8  }
.Ltmp1:
0x11: {  	p1 =	slt.u32 s12, $0x2;
	(pc) =	sbr.rel @!p2 .LBB1_8-.Ltmp1, $4  }
0x12: {  	s13 =	simm.s32 @!p1 $0x2  }
0x13: {  	s16 =	sadd.s32 $0x1, s12;
	s14 =	smov.u32 s11;
	_ =	swait.ge @!p1 [sflag:s13], $0x4000  }
0x14: {  	p0 =	por !p0, !p0;
	s12 =	smov.u32 s16;
	[sflag:s13] =	ssyncset.done @!p1 $0x0  }
0x15: {  	s11 =	smov.u32 s15;
	[sflag:s13] =	ssyncadd.s32 @!p1 $0xFFFFC000;
	s13 =	smov.u32 s2  }
.LBB1_1:
0x16: {  	p1 =	sge.u32 s12, s5  }
0x17: {  	s15 =	sxor.u32 @!p1 $0xFFFFFFFF, s12  }
0x18: {  	s16 =	sshll.u32 @!p1 s11, $0x10;
	s18 =	simm.s32 @!p1 $0x40;
	s15 =	sshll.u32 @!p1 s15, $0xE  }
0x19: {  	s19 =	simm.s32 @!p1 $0x80;
	s17 =	sadd.s32 @!p1 s16, s6;
	s15 =	sand.u32 @!p1 $0x4000, s15  }
0x1a: {  	[tilespmem:s15], [sflag:$0x1] =	stream.strided.gather @!p1 [hbm4b:s17+s18], $0x2000, s19, s18, $0x38;
	[tilespmem:$0x10100] =	vst v63  }
0x1b: {  	s31 =	sadd.s32 $0xFFFFFFFF, s12;
	s16 =	sadd.s32 @!p1 s16, s7;
	s15 =	sor.u32 @!p1 $0x2000, s15  }
0x1c: {  	[tilespmem:s15], [sflag:$0x1] =	stream.strided.gather @!p1 [hbm4b:s16+s18], $0x2000, s19, s18, $0x38;
	[tilespmem:$0x10100] =	vst v63  }
0x1d: {  	p1 =	sge.u32 s31, s5  }
.Ltmp2:
0x1e: {  	_ = 	snop;
	(pc) =	sbr.rel @p1 .LBB1_7-.Ltmp2, $1  }
0x1f: {  	_ =	sdelay $0x3  }
0x20: {  	s15 =	simm.s32 $0x1;
	s17 =	sand.u32 $0x1, s12  }
0x21: {  	_ =	swait.ge [sflag:s4], $0x4000;
	s15 =	simm.s32 @!p0 $0x0;
	s17 =	smul.u32 $0x10200, s17  }
0x22: {  	p2 =	por $0x1, $0x1;
	[sflag:s4] =	ssyncset.done $0x0;
	s16 =	smul.u32 $0x10200, s15  }
0x23: {  	s18 =	sshll.u32 s15, $0x10;
	[sflag:s4] =	ssyncadd.s32 $0xFFFFC000;
	s30 =	sshrl.u32 s17, $0x2  }
0x24: {  	s31 =	sshrl.u32 s18, $0x2;
	s18 =	simm.s32 $0x0;
	s16 =	sshrl.u32 s16, $0x2  }
0x25: {  	s15 =	sor.u32 $0x8000, s30;
	s17 =	sadd.s32 $0x20, s31;
	s16 =	sor.u32 $0x8000, s16  }
.LBB1_3:
0x26: {  	s19 =	sshll.u32 s18, $0xD  }
0x27: {  	s19 =	sand.u32 $0x3FFFE000, s19  }
0x28: {  	s21 =	sadd.s32 s19, s17  }
0x29: {  	s31 =	smul.u32 $0x8100, s18;
	v3 =	vld [tilespmem:s21+$0x10]  }
0x2a: {  	v1 =	vld [tilespmem:s21+$0xFFFFFFF0]  }
0x2b: {  	s18 =	sshra.s32 s31, $0x2;
	v0 =	vld [tilespmem:s21+$0x0]  }
0x2c: {  	s18 =	sadd.s32 s18, s16;
	v2 =	vld [tilespmem:s21+$0xFFFFFFE0]  }
0x2d: {  	s19 =	sadd.s32 $0x0, s18  }
0x2e: {  	p1 =	por p2, p2;
	s20 =	simm.s32 $0x4;
	s21 =	sadd.s32 $0x40, s21;
	[tilespmem:s19+$0x1830 ss:$0x81] =	vst.msk $0xffff, v3  }
.LBB1_4:
0x2f: {  	v3 =	vld [tilespmem:s21+$0x10];
	p2 =	sne.s32 s20, $0x1FC;
	[tilespmem:s19+$0x810 ss:$0x81] =	vst.msk $0xffff, v1;
	s22 =	smov.u32 s20;
	s20 =	sadd.s32 $0x4, s20  }
.Ltmp3:
0x30: {  	v1 =	vld [tilespmem:s21+$0xFFFFFFF0];
	[tilespmem:s19+$0x1020 ss:$0x81] =	vst.msk $0xffff, v0;
	(pc) =	sbr.rel @p2 .LBB1_4-.Ltmp3, $4  }
0x31: {  	v0 =	vld [tilespmem:s21+$0x0];
	[tilespmem:s19+$0x0 ss:$0x81] =	vst.msk $0xffff, v2  }
0x32: {  	s19 =	sshra.s32 s22, $0x2;
	v2 =	vld [tilespmem:s21+$0xFFFFFFE0]  }
0x33: {  	s19 =	sadd.s32 s19, s18  }
0x34: {  	s21 =	sadd.s32 $0x40, s21;
	[tilespmem:s19+$0x1830 ss:$0x81] =	vst.msk $0xffff, v3  }
.Ltmp4:
0x35: {  	(pc) =	sbr.rel @p1 .LBB1_3-.Ltmp4, $4  }
0x36: {  	_ = 	snop  }
0x37: {  	[tilespmem:s19+$0x810 ss:$0x81] =	vst.msk $0xffff, v1  }
0x38: {  	[tilespmem:s19+$0x1020 ss:$0x81] =	vst.msk $0xffff, v0  }
0x39: {  	s18 =	simm.s32 $0x1;
	p2 =	por $0x0, $0x0;
	[tilespmem:s19+$0x0 ss:$0x81] =	vst.msk $0xffff, v2  }
.Ltmp5:
0x3a: {  	(pc) =	sbr.rel .LBB1_7-.Ltmp5, $4  }
0x3b: {  	s14 =	sshll.u32 s14, $0xF  }
0x3c: {  	s14 =	sadd.s32 s3, s14  }
0x3d: {  	s13 =	sadd.s32 s13, s14  }
0x3e: {  	[hbm4b:s13+s9] =	stream.strided.scatter [tilespmem:s15], [sflag:$0x2], $0x4000, s10, s9, $0x20;
	[tilespmem:$0x10100] =	vst v63  }
.LBB1_8:
0x3f: {  	_ =	sfence.sel $0x180000  }
0x40: {  	s2 =	simm.s32 $0x1;
	[bflag:$0x0] =	sbarrier.arrive $0xFFFF  }
0x41: {  	s31 =	simm.s32 $0x2;
	[sflag:s2] =	ssyncpa.u1 $0x1  }
0x42: {  	[sflag:s31] =	ssyncpa.u1 $0x1  }
0x43: {  	p0 =	sne.s32 s0, $0x0;
	_ =	strace $0x9000004D  }
0x44: {  	s0 =	sadd.s32 @!p0 $0x100000, s1;
	[bflag:$0x2] =	sbarrier.arrive $0xFFFF  }
0x45: {  	[sflag:s0] =	ssyncadd.tile.s32 @!p0 $0x1;
	_ =	shalt  }
.Lfunc_end1:
_tile_overlayer_lowered:
.L_overlay_start_2:
0x46: {  	(tag) =	ssettag $0x2  }
0x47: {  	s0 =	rddreg [dreg:$0x0];
	s2 =	stileid.u32  }
0x48: {  	s1 =	rddreg [dreg:$0x1];
	p0 =	sne.s32 s2, $0x0  }
0x49: {  	s3 =	rddreg [dreg:$0x2];
	[bflag:$0x3] =	sbarrier.arrive $0xFFFF;
	s2 =	simm.s32 @!p0 $0x1C01  }
0x4a: {  	[timem:s3], [sflag:s2] =	dma.local @!p0 [hbm:s0], s1  }
0x4b: {  	s0 =	simm.s32 @!p0 $0x1  }
0x4c: {  	_ =	swait.ge @!p0 [sflag:s0], s1  }
0x4d: {  	s1 =	ssub.s32 @!p0 $0x0, s1;
	[sflag:s0] =	ssyncset.done @!p0 $0x0  }
0x4e: {  	[sflag:s0] =	ssyncadd.s32 @!p0 s1  }
0x4f: {  	[bflag:$0x3] =	sbarrier.arrive $0xFFFF  }
0x50: {  	_ =	shalt  }

</sc_bundles>
